<compile_context>
chip_gen: v7x
topology: tpu7x:2x2x1
jax: 0.10.2.dev20260603
libtpu: 0.0.44.dev20260713+nightly
codegen_flags: <defaults>
</compile_context>

<pallas_src>
import jax
import jax.numpy as jnp
from jax import lax
from jax.experimental import pallas as pl
from jax.experimental.pallas import tpu as pltpu
from jax.experimental.pallas import tpu_sc as plsc

_N = 10000
_D = 128
_E = 320000
_OUT = 64
_NC = 2
_NS = 16
_NW = _NC * _NS
_C = 80
_EPT = _E // _NW
_NCH = _EPT // _C
_G = _C // 16
_RPT = _N // _NS
_TPAD = 1024
_TPT = _TPAD // _NS


def _sc_body(pki_h, feat_h, tid_h, twg_h, ones_h, zc_h,
             feat_o, cnt_o,
             pki_v, sidxr, didxr, rows_a, rows_b, ones_v, tid_v, twg_v,
             accf, accc, sem_a, sem_b):
    cid = lax.axis_index("c")
    sid = lax.axis_index("s")
    wid = cid * _NS + sid
    r0 = sid * _RPT
    zv = jnp.zeros((16,), jnp.float32)

    def zrow(i, carry):
        for g in range(_D // 16):
            rows_a[i, pl.ds(16 * g, 16)] = zv
        return carry

    lax.fori_loop(0, _C, zrow, 0)
    for k in range(_RPT // _C):
        pltpu.sync_copy(rows_a, accf.at[pl.ds(r0 + _C * k, _C)])
    pltpu.sync_copy(rows_a.at[pl.ds(0, _RPT % _C)],
                    accf.at[pl.ds(r0 + (_RPT // _C) * _C, _RPT % _C)])
    pltpu.sync_copy(zc_h.at[pl.ds(r0, _RPT)], accc.at[pl.ds(r0, _RPT)])
    base = wid * _NCH
    pltpu.sync_copy(pki_h.at[pl.ds(base, _NCH)], pki_v)
    pltpu.sync_copy(ones_h, ones_v)
    pltpu.sync_copy(tid_h.at[pl.ds(sid * _TPT, _TPT)], tid_v.at[0])
    pltpu.sync_copy(twg_h.at[pl.ds(sid * _TPT, _TPT)], twg_v)
    plsc.subcore_barrier()

    def unpack(j, row):
        for g in range(_G):
            pk = pki_v[j, pl.ds(16 * g, 16)]
            sidxr[row, pl.ds(16 * g, 16)] = pk & 0xFFFF
            didxr[row, pl.ds(16 * g, 16)] = lax.shift_right_logical(pk, 16)

    unpack(0, 0)
    unpack(1, 1)
    pltpu.async_copy(feat_h.at[sidxr.at[0]], rows_a, sem_a)
    pltpu.async_copy(feat_h.at[sidxr.at[1]], rows_b, sem_b)

    def step(jj, carry):
        j2 = 2 * jj + 2
        j3 = 2 * jj + 3
        pltpu.make_async_copy(feat_h.at[sidxr.at[0]], rows_a, sem_a).wait()
        pltpu.sync_copy(rows_a, accf.at[didxr.at[0]], add=True)
        pltpu.sync_copy(ones_v, accc.at[didxr.at[0]], add=True)
        unpack(j2, 0)
        pltpu.async_copy(feat_h.at[sidxr.at[0]], rows_a, sem_a)
        pltpu.make_async_copy(feat_h.at[sidxr.at[1]], rows_b, sem_b).wait()
        pltpu.sync_copy(rows_b, accf.at[didxr.at[1]], add=True)
        pltpu.sync_copy(ones_v, accc.at[didxr.at[1]], add=True)

        @pl.when(j3 < _NCH)
        def _():
            unpack(j3, 1)
            pltpu.async_copy(feat_h.at[sidxr.at[1]], rows_b, sem_b)

        return carry

    lax.fori_loop(0, _NCH // 2, step, 0)
    pltpu.make_async_copy(feat_h.at[sidxr.at[0]], rows_a, sem_a).wait()
    pltpu.sync_copy(rows_a, accf.at[didxr.at[0]], add=True)
    pltpu.sync_copy(ones_v, accc.at[didxr.at[0]], add=True)
    pltpu.sync_copy(twg_v, accc.at[tid_v.at[0]], add=True)
    plsc.subcore_barrier()
    o0 = cid * _N + r0
    pltpu.sync_copy(accf.at[pl.ds(r0, _RPT)], feat_o.at[pl.ds(o0, _RPT)])
    pltpu.sync_copy(accc.at[pl.ds(r0, _RPT)], cnt_o.at[pl.ds(o0, _RPT)])


def _tc_body(fp, cp, wp, pr, we, wr, out):
    f = fp[...]
    c = cp[...]
    agg = f[:_N] + f[_N:]
    deg = jnp.maximum(c[:_N, 0:1] + c[_N:, 0:1], 1.0)
    nrm = agg / deg
    h = jnp.maximum(jnp.dot(nrm, wp[...], preferred_element_type=jnp.float32), 0.0)
    wv = c[:_N, 1:2] + c[_N:, 1:2]
    tpv = jnp.sum(h * wv, axis=0, keepdims=True) / jnp.sum(wv)
    diff = pr[...] - tpv
    d2 = jnp.sum(diff * diff, axis=1, keepdims=True)
    oh = (d2 == jnp.min(d2)).astype(jnp.float32)
    wsel = jnp.sum(we[...] * oh[:, :, None], axis=0)
    x = jnp.maximum(jnp.dot(nrm, wsel, preferred_element_type=jnp.float32), 0.0)
    out[...] = jnp.dot(x, wr[...], preferred_element_type=jnp.float32)


def kernel(features, edge_index, test_ids, W_proj, expert_protos, W_expert, W_reg):
    pki = (edge_index[0] | (edge_index[1] << 16)).reshape(_NW * _NCH, _C)
    ntest = test_ids.shape[0]
    tid_p = jnp.concatenate(
        [test_ids.astype(jnp.int32), jnp.zeros((_TPAD - ntest,), jnp.int32)])
    twg = jnp.zeros((_TPAD, 16), jnp.float32).at[:ntest, 1].set(1.0)
    ones_c = jnp.zeros((_C, 16), jnp.float32).at[:, 0].set(1.0)
    zc = jnp.zeros((_N, 16), jnp.float32)

    sc_call = pl.kernel(
        _sc_body,
        out_type=[
            jax.ShapeDtypeStruct((_NC * _N, _D), jnp.float32),
            jax.ShapeDtypeStruct((_NC * _N, 16), jnp.float32),
        ],
        mesh=plsc.VectorSubcoreMesh(core_axis_name="c", subcore_axis_name="s"),
        scratch_types=[
            pltpu.VMEM((_NCH, _C), jnp.int32),
            pltpu.VMEM((2, _C), jnp.int32),
            pltpu.VMEM((2, _C), jnp.int32),
            pltpu.VMEM((_C, _D), jnp.float32),
            pltpu.VMEM((_C, _D), jnp.float32),
            pltpu.VMEM((_C, 16), jnp.float32),
            pltpu.VMEM((1, _TPT), jnp.int32),
            pltpu.VMEM((_TPT, 16), jnp.float32),
            pltpu.VMEM_SHARED((_N, _D), jnp.float32),
            pltpu.VMEM_SHARED((_N, 16), jnp.float32),
            pltpu.SemaphoreType.DMA,
            pltpu.SemaphoreType.DMA,
        ],
        compiler_params=pltpu.CompilerParams(use_tc_tiling_on_sc=False),
    )
    feat_o, cnt_o = sc_call(pki, features, tid_p, twg, ones_c, zc)

    out = pl.pallas_call(
        _tc_body,
        out_shape=jax.ShapeDtypeStruct((_N, _OUT), jnp.float32),
    )(feat_o, cnt_o, W_proj, expert_protos, W_expert, W_reg)
    return out

# --- scband reference (transcript-rebuilt; emitter-appended) ---
"""Pipeline reference for scband-net-22204980920736 (READ-ONLY COPY).

The authoritative reference and input builder live on the scoring server;
editing this copy changes nothing except your own understanding.
"""

import jax, jax.numpy as jnp
import numpy as np

N = 10000
E = 320000
D = 128
NUM_EXPERTS = 4
OUT = 64


def setup_inputs(seed: int = 0) -> dict:
    key = jax.random.key(seed)
    k1, k2, k3, k4, k5, k6, k7 = jax.random.split(key, 7)
    features = jax.random.normal(k1, (N, D), dtype=jnp.float32)
    edge_index = jax.random.randint(k2, (2, E), 0, N, dtype=jnp.int32)
    test_ids = jax.random.randint(k3, (1000,), 0, N, dtype=jnp.int32)
    # learned parameters
    W_proj = jax.random.normal(k4, (D, D), dtype=jnp.float32) * 0.05
    expert_protos = jax.random.normal(k5, (NUM_EXPERTS, D), dtype=jnp.float32)
    W_expert = jax.random.normal(k6, (NUM_EXPERTS, D, D), dtype=jnp.float32) * 0.05
    W_reg = jax.random.normal(k7, (D, OUT), dtype=jnp.float32) * 0.05
    return {
        "features": features,
        "edge_index": edge_index,
        "test_ids": test_ids,
        "W_proj": W_proj,
        "expert_protos": expert_protos,
        "W_expert": W_expert,
        "W_reg": W_reg,
    }


def _gcn_layer(x, W, src, dst):
    # mean-aggregated graph convolution: relu(mean_{neighbors}(x W))
    h = x @ W
    msg = jnp.take(h, src, axis=0)
    agg = jax.ops.segment_sum(msg, dst, num_segments=N)
    deg = jax.ops.segment_sum(jnp.ones((src.shape[0],), dtype=x.dtype), dst, num_segments=N)
    agg = agg / jnp.maximum(deg, 1.0)[:, None]
    return jax.nn.relu(agg)


def reference(features, edge_index, test_ids, W_proj, expert_protos, W_expert, W_reg):
    src = edge_index[0]
    dst = edge_index[1]
    # 1) frozen projection GNN -> test prototype (mean over test nodes)
    h_proj = _gcn_layer(features, W_proj, src, dst)
    testprototypes = jnp.mean(jnp.take(h_proj, test_ids, axis=0), axis=0)
    # 2) expert selection by prototype distance: prob = exp(-||proto_e - testproto||)
    distances = jnp.linalg.norm(expert_protos - testprototypes[None, :], axis=1)
    prob = jnp.exp(-distances)
    expert_index = jnp.argmax(prob)
    # 3) run selected expert GNN on full graph
    W_e = jnp.take(W_expert, expert_index, axis=0)
    X = _gcn_layer(features, W_e, src, dst)
    # 4) learner (ridge-regression head) inference
    output = X @ W_reg
    return output

if __name__ == "__main__":
    import jax
    _d = setup_inputs()
    print(jax.jit(kernel)(*tuple(_d.values())))

</pallas_src>

<mosaic_0001>
#map = affine_map<(d0, d1) -> (0, 0)>
#map1 = affine_map<(d0, d1) -> (0)>
module attributes {stable_mosaic.version = 14 : i64} {
  func.func @_sc_body(%arg0: i32, %arg1: i32, %arg2: memref<4000x80xi32, #tpu.memory_space<hbm>>, %arg3: memref<10000x128xf32, #tpu.memory_space<hbm>>, %arg4: memref<1024xi32, #tpu.memory_space<hbm>>, %arg5: memref<1024x16xf32, #tpu.memory_space<hbm>>, %arg6: memref<80x16xf32, #tpu.memory_space<hbm>>, %arg7: memref<10000x16xf32, #tpu.memory_space<hbm>>, %arg8: memref<20000x128xf32, #tpu.memory_space<hbm>>, %arg9: memref<20000x16xf32, #tpu.memory_space<hbm>>, %arg10: memref<125x80xi32, #tpu.memory_space<vmem>>, %arg11: memref<2x80xi32, #tpu.memory_space<vmem>>, %arg12: memref<2x80xi32, #tpu.memory_space<vmem>>, %arg13: memref<80x128xf32, #tpu.memory_space<vmem>>, %arg14: memref<80x128xf32, #tpu.memory_space<vmem>>, %arg15: memref<80x16xf32, #tpu.memory_space<vmem>>, %arg16: memref<1x64xi32, #tpu.memory_space<vmem>>, %arg17: memref<64x16xf32, #tpu.memory_space<vmem>>, %arg18: memref<10000x128xf32, #tpu.memory_space<vmem_shared>>, %arg19: memref<10000x16xf32, #tpu.memory_space<vmem_shared>>, %arg20: memref<!tpu.dma_semaphore, #tpu.memory_space<semaphore_mem>>, %arg21: memref<!tpu.dma_semaphore, #tpu.memory_space<semaphore_mem>>) attributes {dimension_semantics = [#tpu.dimension_semantics<core_parallel>, #tpu.dimension_semantics<subcore_parallel>], iteration_bounds = array<i64: 2, 16>, scalar_prefetch = 0 : i64, scratch_operands = 12 : i64, tpu.core_type = #tpu.core_type<sc_vector_subcore>, window_params = [{transform_indices = #map}, {transform_indices = #map}, {transform_indices = #map1}, {transform_indices = #map}, {transform_indices = #map}, {transform_indices = #map}, {transform_indices = #map}, {transform_indices = #map}]} {
    %mul3A = arith.constant 16 : i32
    %mul3A_0 = arith.muli %arg0, %mul3A : i32
    %add3A = arith.addi %mul3A_0, %arg1 : i32
    %mul3A_1 = arith.constant 625 : i32
    %mul3A_2 = arith.muli %arg1, %mul3A_1 : i32
    %broadcast_in_dim3A = arith.constant 0.000000e+00 : f32
    %broadcast_in_dim3A_3 = vector.broadcast %broadcast_in_dim3A : f32 to vector<16xf32>
    %scan3A = arith.constant 0 : i32
    %scan3A_4 = arith.constant 0 : i32
    %scan3A_5 = arith.constant 80 : i32
    %scan3A_6 = arith.addi %scan3A_4, %scan3A_5 : i32
    %scan3A_7 = arith.constant 1 : i32
    scf.for %scan3A_289 = %scan3A_4 to %scan3A_6 step %scan3A_7  : i32 {
      %swap3A_290 = arith.index_cast %scan3A_289 : i32 to index
      %swap3A_291 = arith.constant 0 : index
      %swap3A_292 = tpu.vector_load %arg13[%swap3A_290, %swap3A_291] {strides = array<i32>} : memref<80x128xf32, #tpu.memory_space<vmem>>, vector<1x16xf32>,
      %swap3A_293 = vector.shape_cast %swap3A_292 : vector<1x16xf32> to vector<16xf32>
      %swap3A_294 = vector.shape_cast %broadcast_in_dim3A_3 : vector<16xf32> to vector<1x16xf32>
      tpu.vector_store %arg13[%swap3A_290, %swap3A_291], %swap3A_294 {strides = array<i32>} : memref<80x128xf32, #tpu.memory_space<vmem>>, vector<1x16xf32>,
      %swap3A_295 = arith.index_cast %scan3A_289 : i32 to index
      %swap3A_296 = arith.constant 16 : index
      %swap3A_297 = tpu.vector_load %arg13[%swap3A_295, %swap3A_296] {strides = array<i32>} : memref<80x128xf32, #tpu.memory_space<vmem>>, vector<1x16xf32>,
      %swap3A_298 = vector.shape_cast %swap3A_297 : vector<1x16xf32> to vector<16xf32>
      %swap3A_299 = vector.shape_cast %broadcast_in_dim3A_3 : vector<16xf32> to vector<1x16xf32>
      tpu.vector_store %arg13[%swap3A_295, %swap3A_296], %swap3A_299 {strides = array<i32>} : memref<80x128xf32, #tpu.memory_space<vmem>>, vector<1x16xf32>,
      %swap3A_300 = arith.index_cast %scan3A_289 : i32 to index
      %swap3A_301 = arith.constant 32 : index
      %swap3A_302 = tpu.vector_load %arg13[%swap3A_300, %swap3A_301] {strides = array<i32>} : memref<80x128xf32, #tpu.memory_space<vmem>>, vector<1x16xf32>,
      %swap3A_303 = vector.shape_cast %swap3A_302 : vector<1x16xf32> to vector<16xf32>
      %swap3A_304 = vector.shape_cast %broadcast_in_dim3A_3 : vector<16xf32> to vector<1x16xf32>
      tpu.vector_store %arg13[%swap3A_300, %swap3A_301], %swap3A_304 {strides = array<i32>} : memref<80x128xf32, #tpu.memory_space<vmem>>, vector<1x16xf32>,
      %swap3A_305 = arith.index_cast %scan3A_289 : i32 to index
      %swap3A_306 = arith.constant 48 : index
      %swap3A_307 = tpu.vector_load %arg13[%swap3A_305, %swap3A_306] {strides = array<i32>} : memref<80x128xf32, #tpu.memory_space<vmem>>, vector<1x16xf32>,
      %swap3A_308 = vector.shape_cast %swap3A_307 : vector<1x16xf32> to vector<16xf32>
      %swap3A_309 = vector.shape_cast %broadcast_in_dim3A_3 : vector<16xf32> to vector<1x16xf32>
      tpu.vector_store %arg13[%swap3A_305, %swap3A_306], %swap3A_309 {strides = array<i32>} : memref<80x128xf32, #tpu.memory_space<vmem>>, vector<1x16xf32>,
      %swap3A_310 = arith.index_cast %scan3A_289 : i32 to index
      %swap3A_311 = arith.constant 64 : index
      %swap3A_312 = tpu.vector_load %arg13[%swap3A_310, %swap3A_311] {strides = array<i32>} : memref<80x128xf32, #tpu.memory_space<vmem>>, vector<1x16xf32>,
      %swap3A_313 = vector.shape_cast %swap3A_312 : vector<1x16xf32> to vector<16xf32>
      %swap3A_314 = vector.shape_cast %broadcast_in_dim3A_3 : vector<16xf32> to vector<1x16xf32>
      tpu.vector_store %arg13[%swap3A_310, %swap3A_311], %swap3A_314 {strides = array<i32>} : memref<80x128xf32, #tpu.memory_space<vmem>>, vector<1x16xf32>,
      %swap3A_315 = arith.index_cast %scan3A_289 : i32 to index
      %swap3A_316 = arith.constant 80 : index
      %swap3A_317 = tpu.vector_load %arg13[%swap3A_315, %swap3A_316] {strides = array<i32>} : memref<80x128xf32, #tpu.memory_space<vmem>>, vector<1x16xf32>,
      %swap3A_318 = vector.shape_cast %swap3A_317 : vector<1x16xf32> to vector<16xf32>
      %swap3A_319 = vector.shape_cast %broadcast_in_dim3A_3 : vector<16xf32> to vector<1x16xf32>
      tpu.vector_store %arg13[%swap3A_315, %swap3A_316], %swap3A_319 {strides = array<i32>} : memref<80x128xf32, #tpu.memory_space<vmem>>, vector<1x16xf32>,
      %swap3A_320 = arith.index_cast %scan3A_289 : i32 to index
      %swap3A_321 = arith.constant 96 : index
      %swap3A_322 = tpu.vector_load %arg13[%swap3A_320, %swap3A_321] {strides = array<i32>} : memref<80x128xf32, #tpu.memory_space<vmem>>, vector<1x16xf32>,
      %swap3A_323 = vector.shape_cast %swap3A_322 : vector<1x16xf32> to vector<16xf32>
      %swap3A_324 = vector.shape_cast %broadcast_in_dim3A_3 : vector<16xf32> to vector<1x16xf32>
      tpu.vector_store %arg13[%swap3A_320, %swap3A_321], %swap3A_324 {strides = array<i32>} : memref<80x128xf32, #tpu.memory_space<vmem>>, vector<1x16xf32>,
      %swap3A_325 = arith.index_cast %scan3A_289 : i32 to index
      %swap3A_326 = arith.constant 112 : index
      %swap3A_327 = tpu.vector_load %arg13[%swap3A_325, %swap3A_326] {strides = array<i32>} : memref<80x128xf32, #tpu.memory_space<vmem>>, vector<1x16xf32>,
      %swap3A_328 = vector.shape_cast %swap3A_327 : vector<1x16xf32> to vector<16xf32>
      %swap3A_329 = vector.shape_cast %broadcast_in_dim3A_3 : vector<16xf32> to vector<1x16xf32>
      tpu.vector_store %arg13[%swap3A_325, %swap3A_326], %swap3A_329 {strides = array<i32>} : memref<80x128xf32, #tpu.memory_space<vmem>>, vector<1x16xf32>,
    }
    %scan3A_8 = arith.constant 80 : i32
    %add3A_9 = arith.constant 0 : i32
    %add3A_10 = arith.addi %mul3A_2, %add3A_9 : i32
    "tpu.region"() ({
      %run_scoped3A_289 = tpu.sem_alloc : memref<!tpu.dma_semaphore, #tpu.memory_space<semaphore_mem>>
      %dma_start3A_290 = arith.constant 0 : i32
      %dma_start3A_291 = tpu.memref_slice %arg18[%add3A_10, %dma_start3A_290] : memref<10000x128xf32, #tpu.memory_space<vmem_shared>> -> memref<80x128xf32, #tpu.memory_space<vmem_shared>>
      %dma_start3A_292 = arith.constant 0 : i32
      %dma_start3A_293 = tpu.memref_slice %arg18[%add3A_10, %dma_start3A_292] : memref<10000x128xf32, #tpu.memory_space<vmem_shared>> -> memref<80x128xf32, #tpu.memory_space<vmem_shared>>
      tpu.enqueue_dma source(%arg13 : memref<80x128xf32, #tpu.memory_space<vmem>>) target(%dma_start3A_293 : memref<80x128xf32, #tpu.memory_space<vmem_shared>>) target_semaphore(%run_scoped3A_289 : memref<!tpu.dma_semaphore, #tpu.memory_space<semaphore_mem>>)
      %dma_wait3A_294 = arith.constant 0 : i32
      %dma_wait3A_295 = tpu.memref_slice %arg18[%add3A_10, %dma_wait3A_294] : memref<10000x128xf32, #tpu.memory_space<vmem_shared>> -> memref<80x128xf32, #tpu.memory_space<vmem_shared>>
      %dma_wait3A_296 = arith.constant 0 : i32
      %dma_wait3A_297 = tpu.memref_slice %arg18[%add3A_10, %dma_wait3A_296] : memref<10000x128xf32, #tpu.memory_space<vmem_shared>> -> memref<80x128xf32, #tpu.memory_space<vmem_shared>>
      tpu.wait_dma2 semaphore(%run_scoped3A_289 : memref<!tpu.dma_semaphore, #tpu.memory_space<semaphore_mem>>) src(%arg13 : memref<80x128xf32, #tpu.memory_space<vmem>>) dst(%dma_wait3A_297 : memref<80x128xf32, #tpu.memory_space<vmem_shared>>)
      tpu.yield
    }) : () -> ()
    %add3A_11 = arith.constant 80 : i32
    %add3A_12 = arith.addi %mul3A_2, %add3A_11 : i32
    "tpu.region"() ({
      %run_scoped3A_289 = tpu.sem_alloc : memref<!tpu.dma_semaphore, #tpu.memory_space<semaphore_mem>>
      %dma_start3A_290 = arith.constant 0 : i32
      %dma_start3A_291 = tpu.memref_slice %arg18[%add3A_12, %dma_start3A_290] : memref<10000x128xf32, #tpu.memory_space<vmem_shared>> -> memref<80x128xf32, #tpu.memory_space<vmem_shared>>
      %dma_start3A_292 = arith.constant 0 : i32
      %dma_start3A_293 = tpu.memref_slice %arg18[%add3A_12, %dma_start3A_292] : memref<10000x128xf32, #tpu.memory_space<vmem_shared>> -> memref<80x128xf32, #tpu.memory_space<vmem_shared>>
      tpu.enqueue_dma source(%arg13 : memref<80x128xf32, #tpu.memory_space<vmem>>) target(%dma_start3A_293 : memref<80x128xf32, #tpu.memory_space<vmem_shared>>) target_semaphore(%run_scoped3A_289 : memref<!tpu.dma_semaphore, #tpu.memory_space<semaphore_mem>>)
      %dma_wait3A_294 = arith.constant 0 : i32
      %dma_wait3A_295 = tpu.memref_slice %arg18[%add3A_12, %dma_wait3A_294] : memref<10000x128xf32, #tpu.memory_space<vmem_shared>> -> memref<80x128xf32, #tpu.memory_space<vmem_shared>>
      %dma_wait3A_296 = arith.constant 0 : i32
      %dma_wait3A_297 = tpu.memref_slice %arg18[%add3A_12, %dma_wait3A_296] : memref<10000x128xf32, #tpu.memory_space<vmem_shared>> -> memref<80x128xf32, #tpu.memory_space<vmem_shared>>
      tpu.wait_dma2 semaphore(%run_scoped3A_289 : memref<!tpu.dma_semaphore, #tpu.memory_space<semaphore_mem>>) src(%arg13 : memref<80x128xf32, #tpu.memory_space<vmem>>) dst(%dma_wait3A_297 : memref<80x128xf32, #tpu.memory_space<vmem_shared>>)
      tpu.yield
    }) : () -> ()
    %add3A_13 = arith.constant 160 : i32
    %add3A_14 = arith.addi %mul3A_2, %add3A_13 : i32
    "tpu.region"() ({
      %run_scoped3A_289 = tpu.sem_alloc : memref<!tpu.dma_semaphore, #tpu.memory_space<semaphore_mem>>
      %dma_start3A_290 = arith.constant 0 : i32
      %dma_start3A_291 = tpu.memref_slice %arg18[%add3A_14, %dma_start3A_290] : memref<10000x128xf32, #tpu.memory_space<vmem_shared>> -> memref<80x128xf32, #tpu.memory_space<vmem_shared>>
      %dma_start3A_292 = arith.constant 0 : i32
      %dma_start3A_293 = tpu.memref_slice %arg18[%add3A_14, %dma_start3A_292] : memref<10000x128xf32, #tpu.memory_space<vmem_shared>> -> memref<80x128xf32, #tpu.memory_space<vmem_shared>>
      tpu.enqueue_dma source(%arg13 : memref<80x128xf32, #tpu.memory_space<vmem>>) target(%dma_start3A_293 : memref<80x128xf32, #tpu.memory_space<vmem_shared>>) target_semaphore(%run_scoped3A_289 : memref<!tpu.dma_semaphore, #tpu.memory_space<semaphore_mem>>)
      %dma_wait3A_294 = arith.constant 0 : i32
      %dma_wait3A_295 = tpu.memref_slice %arg18[%add3A_14, %dma_wait3A_294] : memref<10000x128xf32, #tpu.memory_space<vmem_shared>> -> memref<80x128xf32, #tpu.memory_space<vmem_shared>>
      %dma_wait3A_296 = arith.constant 0 : i32
      %dma_wait3A_297 = tpu.memref_slice %arg18[%add3A_14, %dma_wait3A_296] : memref<10000x128xf32, #tpu.memory_space<vmem_shared>> -> memref<80x128xf32, #tpu.memory_space<vmem_shared>>
      tpu.wait_dma2 semaphore(%run_scoped3A_289 : memref<!tpu.dma_semaphore, #tpu.memory_space<semaphore_mem>>) src(%arg13 : memref<80x128xf32, #tpu.memory_space<vmem>>) dst(%dma_wait3A_297 : memref<80x128xf32, #tpu.memory_space<vmem_shared>>)
      tpu.yield
    }) : () -> ()
    %add3A_15 = arith.constant 240 : i32
    %add3A_16 = arith.addi %mul3A_2, %add3A_15 : i32
    "tpu.region"() ({
      %run_scoped3A_289 = tpu.sem_alloc : memref<!tpu.dma_semaphore, #tpu.memory_space<semaphore_mem>>
      %dma_start3A_290 = arith.constant 0 : i32
      %dma_start3A_291 = tpu.memref_slice %arg18[%add3A_16, %dma_start3A_290] : memref<10000x128xf32, #tpu.memory_space<vmem_shared>> -> memref<80x128xf32, #tpu.memory_space<vmem_shared>>
      %dma_start3A_292 = arith.constant 0 : i32
      %dma_start3A_293 = tpu.memref_slice %arg18[%add3A_16, %dma_start3A_292] : memref<10000x128xf32, #tpu.memory_space<vmem_shared>> -> memref<80x128xf32, #tpu.memory_space<vmem_shared>>
      tpu.enqueue_dma source(%arg13 : memref<80x128xf32, #tpu.memory_space<vmem>>) target(%dma_start3A_293 : memref<80x128xf32, #tpu.memory_space<vmem_shared>>) target_semaphore(%run_scoped3A_289 : memref<!tpu.dma_semaphore, #tpu.memory_space<semaphore_mem>>)
      %dma_wait3A_294 = arith.constant 0 : i32
      %dma_wait3A_295 = tpu.memref_slice %arg18[%add3A_16, %dma_wait3A_294] : memref<10000x128xf32, #tpu.memory_space<vmem_shared>> -> memref<80x128xf32, #tpu.memory_space<vmem_shared>>
      %dma_wait3A_296 = arith.constant 0 : i32
      %dma_wait3A_297 = tpu.memref_slice %arg18[%add3A_16, %dma_wait3A_296] : memref<10000x128xf32, #tpu.memory_space<vmem_shared>> -> memref<80x128xf32, #tpu.memory_space<vmem_shared>>
      tpu.wait_dma2 semaphore(%run_scoped3A_289 : memref<!tpu.dma_semaphore, #tpu.memory_space<semaphore_mem>>) src(%arg13 : memref<80x128xf32, #tpu.memory_space<vmem>>) dst(%dma_wait3A_297 : memref<80x128xf32, #tpu.memory_space<vmem_shared>>)
      tpu.yield
    }) : () -> ()
    %add3A_17 = arith.constant 320 : i32
    %add3A_18 = arith.addi %mul3A_2, %add3A_17 : i32
    "tpu.region"() ({
      %run_scoped3A_289 = tpu.sem_alloc : memref<!tpu.dma_semaphore, #tpu.memory_space<semaphore_mem>>
      %dma_start3A_290 = arith.constant 0 : i32
      %dma_start3A_291 = tpu.memref_slice %arg18[%add3A_18, %dma_start3A_290] : memref<10000x128xf32, #tpu.memory_space<vmem_shared>> -> memref<80x128xf32, #tpu.memory_space<vmem_shared>>
      %dma_start3A_292 = arith.constant 0 : i32
      %dma_start3A_293 = tpu.memref_slice %arg18[%add3A_18, %dma_start3A_292] : memref<10000x128xf32, #tpu.memory_space<vmem_shared>> -> memref<80x128xf32, #tpu.memory_space<vmem_shared>>
      tpu.enqueue_dma source(%arg13 : memref<80x128xf32, #tpu.memory_space<vmem>>) target(%dma_start3A_293 : memref<80x128xf32, #tpu.memory_space<vmem_shared>>) target_semaphore(%run_scoped3A_289 : memref<!tpu.dma_semaphore, #tpu.memory_space<semaphore_mem>>)
      %dma_wait3A_294 = arith.constant 0 : i32
      %dma_wait3A_295 = tpu.memref_slice %arg18[%add3A_18, %dma_wait3A_294] : memref<10000x128xf32, #tpu.memory_space<vmem_shared>> -> memref<80x128xf32, #tpu.memory_space<vmem_shared>>
      %dma_wait3A_296 = arith.constant 0 : i32
      %dma_wait3A_297 = tpu.memref_slice %arg18[%add3A_18, %dma_wait3A_296] : memref<10000x128xf32, #tpu.memory_space<vmem_shared>> -> memref<80x128xf32, #tpu.memory_space<vmem_shared>>
      tpu.wait_dma2 semaphore(%run_scoped3A_289 : memref<!tpu.dma_semaphore, #tpu.memory_space<semaphore_mem>>) src(%arg13 : memref<80x128xf32, #tpu.memory_space<vmem>>) dst(%dma_wait3A_297 : memref<80x128xf32, #tpu.memory_space<vmem_shared>>)
      tpu.yield
    }) : () -> ()
    %add3A_19 = arith.constant 400 : i32
    %add3A_20 = arith.addi %mul3A_2, %add3A_19 : i32
    "tpu.region"() ({
      %run_scoped3A_289 = tpu.sem_alloc : memref<!tpu.dma_semaphore, #tpu.memory_space<semaphore_mem>>
      %dma_start3A_290 = arith.constant 0 : i32
      %dma_start3A_291 = tpu.memref_slice %arg18[%add3A_20, %dma_start3A_290] : memref<10000x128xf32, #tpu.memory_space<vmem_shared>> -> memref<80x128xf32, #tpu.memory_space<vmem_shared>>
      %dma_start3A_292 = arith.constant 0 : i32
      %dma_start3A_293 = tpu.memref_slice %arg18[%add3A_20, %dma_start3A_292] : memref<10000x128xf32, #tpu.memory_space<vmem_shared>> -> memref<80x128xf32, #tpu.memory_space<vmem_shared>>
      tpu.enqueue_dma source(%arg13 : memref<80x128xf32, #tpu.memory_space<vmem>>) target(%dma_start3A_293 : memref<80x128xf32, #tpu.memory_space<vmem_shared>>) target_semaphore(%run_scoped3A_289 : memref<!tpu.dma_semaphore, #tpu.memory_space<semaphore_mem>>)
      %dma_wait3A_294 = arith.constant 0 : i32
      %dma_wait3A_295 = tpu.memref_slice %arg18[%add3A_20, %dma_wait3A_294] : memref<10000x128xf32, #tpu.memory_space<vmem_shared>> -> memref<80x128xf32, #tpu.memory_space<vmem_shared>>
      %dma_wait3A_296 = arith.constant 0 : i32
      %dma_wait3A_297 = tpu.memref_slice %arg18[%add3A_20, %dma_wait3A_296] : memref<10000x128xf32, #tpu.memory_space<vmem_shared>> -> memref<80x128xf32, #tpu.memory_space<vmem_shared>>
      tpu.wait_dma2 semaphore(%run_scoped3A_289 : memref<!tpu.dma_semaphore, #tpu.memory_space<semaphore_mem>>) src(%arg13 : memref<80x128xf32, #tpu.memory_space<vmem>>) dst(%dma_wait3A_297 : memref<80x128xf32, #tpu.memory_space<vmem_shared>>)
      tpu.yield
    }) : () -> ()
    %add3A_21 = arith.constant 480 : i32
    %add3A_22 = arith.addi %mul3A_2, %add3A_21 : i32
    "tpu.region"() ({
      %run_scoped3A_289 = tpu.sem_alloc : memref<!tpu.dma_semaphore, #tpu.memory_space<semaphore_mem>>
      %dma_start3A_290 = arith.constant 0 : i32
      %dma_start3A_291 = tpu.memref_slice %arg18[%add3A_22, %dma_start3A_290] : memref<10000x128xf32, #tpu.memory_space<vmem_shared>> -> memref<80x128xf32, #tpu.memory_space<vmem_shared>>
      %dma_start3A_292 = arith.constant 0 : i32
      %dma_start3A_293 = tpu.memref_slice %arg18[%add3A_22, %dma_start3A_292] : memref<10000x128xf32, #tpu.memory_space<vmem_shared>> -> memref<80x128xf32, #tpu.memory_space<vmem_shared>>
      tpu.enqueue_dma source(%arg13 : memref<80x128xf32, #tpu.memory_space<vmem>>) target(%dma_start3A_293 : memref<80x128xf32, #tpu.memory_space<vmem_shared>>) target_semaphore(%run_scoped3A_289 : memref<!tpu.dma_semaphore, #tpu.memory_space<semaphore_mem>>)
      %dma_wait3A_294 = arith.constant 0 : i32
      %dma_wait3A_295 = tpu.memref_slice %arg18[%add3A_22, %dma_wait3A_294] : memref<10000x128xf32, #tpu.memory_space<vmem_shared>> -> memref<80x128xf32, #tpu.memory_space<vmem_shared>>
      %dma_wait3A_296 = arith.constant 0 : i32
      %dma_wait3A_297 = tpu.memref_slice %arg18[%add3A_22, %dma_wait3A_296] : memref<10000x128xf32, #tpu.memory_space<vmem_shared>> -> memref<80x128xf32, #tpu.memory_space<vmem_shared>>
      tpu.wait_dma2 semaphore(%run_scoped3A_289 : memref<!tpu.dma_semaphore, #tpu.memory_space<semaphore_mem>>) src(%arg13 : memref<80x128xf32, #tpu.memory_space<vmem>>) dst(%dma_wait3A_297 : memref<80x128xf32, #tpu.memory_space<vmem_shared>>)
      tpu.yield
    }) : () -> ()
    %add3A_23 = arith.constant 560 : i32
    %add3A_24 = arith.addi %mul3A_2, %add3A_23 : i32
    "tpu.region"() ({
      %run_scoped3A_289 = tpu.sem_alloc : memref<!tpu.dma_semaphore, #tpu.memory_space<semaphore_mem>>
      %dma_start3A_290 = arith.constant 0 : i32
      %dma_start3A_291 = arith.constant 0 : i32
      %dma_start3A_292 = tpu.memref_slice %arg13[%dma_start3A_290, %dma_start3A_291] : memref<80x128xf32, #tpu.memory_space<vmem>> -> memref<65x128xf32, #tpu.memory_space<vmem>>
      %dma_start3A_293 = arith.constant 0 : i32
      %dma_start3A_294 = tpu.memref_slice %arg18[%add3A_24, %dma_start3A_293] : memref<10000x128xf32, #tpu.memory_space<vmem_shared>> -> memref<65x128xf32, #tpu.memory_space<vmem_shared>>
      %dma_start3A_295 = arith.constant 0 : i32
      %dma_start3A_296 = tpu.memref_slice %arg18[%add3A_24, %dma_start3A_295] : memref<10000x128xf32, #tpu.memory_space<vmem_shared>> -> memref<65x128xf32, #tpu.memory_space<vmem_shared>>
      %dma_start3A_297 = arith.constant 0 : i32
      %dma_start3A_298 = arith.constant 0 : i32
      %dma_start3A_299 = tpu.memref_slice %arg13[%dma_start3A_297, %dma_start3A_298] : memref<80x128xf32, #tpu.memory_space<vmem>> -> memref<65x128xf32, #tpu.memory_space<vmem>>
      tpu.enqueue_dma source(%dma_start3A_299 : memref<65x128xf32, #tpu.memory_space<vmem>>) target(%dma_start3A_296 : memref<65x128xf32, #tpu.memory_space<vmem_shared>>) target_semaphore(%run_scoped3A_289 : memref<!tpu.dma_semaphore, #tpu.memory_space<semaphore_mem>>)
      %dma_wait3A_300 = arith.constant 0 : i32
      %dma_wait3A_301 = arith.constant 0 : i32
      %dma_wait3A_302 = tpu.memref_slice %arg13[%dma_wait3A_300, %dma_wait3A_301] : memref<80x128xf32, #tpu.memory_space<vmem>> -> memref<65x128xf32, #tpu.memory_space<vmem>>
      %dma_wait3A_303 = arith.constant 0 : i32
      %dma_wait3A_304 = tpu.memref_slice %arg18[%add3A_24, %dma_wait3A_303] : memref<10000x128xf32, #tpu.memory_space<vmem_shared>> -> memref<65x128xf32, #tpu.memory_space<vmem_shared>>
      %dma_wait3A_305 = arith.constant 0 : i32
      %dma_wait3A_306 = tpu.memref_slice %arg18[%add3A_24, %dma_wait3A_305] : memref<10000x128xf32, #tpu.memory_space<vmem_shared>> -> memref<65x128xf32, #tpu.memory_space<vmem_shared>>
      %dma_wait3A_307 = arith.constant 0 : i32
      %dma_wait3A_308 = arith.constant 0 : i32
      %dma_wait3A_309 = tpu.memref_slice %arg13[%dma_wait3A_307, %dma_wait3A_308] : memref<80x128xf32, #tpu.memory_space<vmem>> -> memref<65x128xf32, #tpu.memory_space<vmem>>
      tpu.wait_dma2 semaphore(%run_scoped3A_289 : memref<!tpu.dma_semaphore, #tpu.memory_space<semaphore_mem>>) src(%dma_wait3A_309 : memref<65x128xf32, #tpu.memory_space<vmem>>) dst(%dma_wait3A_306 : memref<65x128xf32, #tpu.memory_space<vmem_shared>>)
      tpu.yield
    }) : () -> ()
    "tpu.region"() ({
      %run_scoped3A_289 = tpu.sem_alloc : memref<!tpu.dma_semaphore, #tpu.memory_space<semaphore_mem>>
      %dma_start3A_290 = arith.constant 0 : i32
      %dma_start3A_291 = tpu.memref_slice %arg19[%mul3A_2, %dma_start3A_290] : memref<10000x16xf32, #tpu.memory_space<vmem_shared>> -> memref<625x16xf32, #tpu.memory_space<vmem_shared>>
      %dma_start3A_292 = arith.constant 0 : i32
      %dma_start3A_293 = tpu.memref_slice %arg7[%mul3A_2, %dma_start3A_292] : memref<10000x16xf32, #tpu.memory_space<hbm>> -> memref<625x16xf32, #tpu.memory_space<hbm>>
      tpu.enqueue_dma source(%dma_start3A_293 : memref<625x16xf32, #tpu.memory_space<hbm>>) target(%dma_start3A_291 : memref<625x16xf32, #tpu.memory_space<vmem_shared>>) target_semaphore(%run_scoped3A_289 : memref<!tpu.dma_semaphore, #tpu.memory_space<semaphore_mem>>)
      %dma_wait3A_294 = arith.constant 0 : i32
      %dma_wait3A_295 = tpu.memref_slice %arg19[%mul3A_2, %dma_wait3A_294] : memref<10000x16xf32, #tpu.memory_space<vmem_shared>> -> memref<625x16xf32, #tpu.memory_space<vmem_shared>>
      %dma_wait3A_296 = arith.constant 0 : i32
      %dma_wait3A_297 = tpu.memref_slice %arg7[%mul3A_2, %dma_wait3A_296] : memref<10000x16xf32, #tpu.memory_space<hbm>> -> memref<625x16xf32, #tpu.memory_space<hbm>>
      tpu.wait_dma2 semaphore(%run_scoped3A_289 : memref<!tpu.dma_semaphore, #tpu.memory_space<semaphore_mem>>) src(%dma_wait3A_297 : memref<625x16xf32, #tpu.memory_space<hbm>>) dst(%dma_wait3A_295 : memref<625x16xf32, #tpu.memory_space<vmem_shared>>)
      tpu.yield
    }) : () -> ()
    %mul3A_25 = arith.constant 125 : i32
    %mul3A_26 = arith.muli %add3A, %mul3A_25 : i32
    "tpu.region"() ({
      %run_scoped3A_289 = tpu.sem_alloc : memref<!tpu.dma_semaphore, #tpu.memory_space<semaphore_mem>>
      %dma_start3A_290 = arith.constant 0 : i32
      %dma_start3A_291 = tpu.memref_slice %arg2[%mul3A_26, %dma_start3A_290] : memref<4000x80xi32, #tpu.memory_space<hbm>> -> memref<125x80xi32, #tpu.memory_space<hbm>>
      %dma_start3A_292 = arith.constant 0 : i32
      %dma_start3A_293 = tpu.memref_slice %arg2[%mul3A_26, %dma_start3A_292] : memref<4000x80xi32, #tpu.memory_space<hbm>> -> memref<125x80xi32, #tpu.memory_space<hbm>>
      tpu.enqueue_dma source(%dma_start3A_293 : memref<125x80xi32, #tpu.memory_space<hbm>>) target(%arg10 : memref<125x80xi32, #tpu.memory_space<vmem>>) target_semaphore(%run_scoped3A_289 : memref<!tpu.dma_semaphore, #tpu.memory_space<semaphore_mem>>)
      %dma_wait3A_294 = arith.constant 0 : i32
      %dma_wait3A_295 = tpu.memref_slice %arg2[%mul3A_26, %dma_wait3A_294] : memref<4000x80xi32, #tpu.memory_space<hbm>> -> memref<125x80xi32, #tpu.memory_space<hbm>>
      %dma_wait3A_296 = arith.constant 0 : i32
      %dma_wait3A_297 = tpu.memref_slice %arg2[%mul3A_26, %dma_wait3A_296] : memref<4000x80xi32, #tpu.memory_space<hbm>> -> memref<125x80xi32, #tpu.memory_space<hbm>>
      tpu.wait_dma2 semaphore(%run_scoped3A_289 : memref<!tpu.dma_semaphore, #tpu.memory_space<semaphore_mem>>) src(%dma_wait3A_297 : memref<125x80xi32, #tpu.memory_space<hbm>>) dst(%arg10 : memref<125x80xi32, #tpu.memory_space<vmem>>)
      tpu.yield
    }) : () -> ()
    "tpu.region"() ({
      %run_scoped3A_289 = tpu.sem_alloc : memref<!tpu.dma_semaphore, #tpu.memory_space<semaphore_mem>>
      tpu.enqueue_dma source(%arg6 : memref<80x16xf32, #tpu.memory_space<hbm>>) target(%arg15 : memref<80x16xf32, #tpu.memory_space<vmem>>) target_semaphore(%run_scoped3A_289 : memref<!tpu.dma_semaphore, #tpu.memory_space<semaphore_mem>>)
      tpu.wait_dma2 semaphore(%run_scoped3A_289 : memref<!tpu.dma_semaphore, #tpu.memory_space<semaphore_mem>>) src(%arg6 : memref<80x16xf32, #tpu.memory_space<hbm>>) dst(%arg15 : memref<80x16xf32, #tpu.memory_space<vmem>>)
      tpu.yield
    }) : () -> ()
    %mul3A_27 = arith.constant 64 : i32
    %mul3A_28 = arith.muli %arg1, %mul3A_27 : i32
    %run_scoped3A = arith.constant 0 : i32
    "tpu.region"() ({
      %run_scoped3A_289 = tpu.sem_alloc : memref<!tpu.dma_semaphore, #tpu.memory_space<semaphore_mem>>
      %dma_start3A_290 = arith.constant 0 : i32
      %dma_start3A_291 = tpu.memref_slice %arg16[%run_scoped3A, %dma_start3A_290] : memref<1x64xi32, #tpu.memory_space<vmem>> -> memref<1x64xi32, #tpu.memory_space<vmem>>
      %dma_start3A_292 = tpu.memref_squeeze %dma_start3A_291 : memref<1x64xi32, #tpu.memory_space<vmem>> -> memref<64xi32, #tpu.memory_space<vmem>>
      %dma_start3A_293 = tpu.memref_slice %arg4[%mul3A_28] : memref<1024xi32, #tpu.memory_space<hbm>> -> memref<64xi32, #tpu.memory_space<hbm>>
      %dma_start3A_294 = arith.constant 0 : i32
      %dma_start3A_295 = tpu.memref_slice %arg16[%run_scoped3A, %dma_start3A_294] : memref<1x64xi32, #tpu.memory_space<vmem>> -> memref<1x64xi32, #tpu.memory_space<vmem>>
      %dma_start3A_296 = tpu.memref_squeeze %dma_start3A_295 : memref<1x64xi32, #tpu.memory_space<vmem>> -> memref<64xi32, #tpu.memory_space<vmem>>
      %dma_start3A_297 = tpu.memref_slice %arg4[%mul3A_28] : memref<1024xi32, #tpu.memory_space<hbm>> -> memref<64xi32, #tpu.memory_space<hbm>>
      tpu.enqueue_dma source(%dma_start3A_297 : memref<64xi32, #tpu.memory_space<hbm>>) target(%dma_start3A_296 : memref<64xi32, #tpu.memory_space<vmem>>) target_semaphore(%run_scoped3A_289 : memref<!tpu.dma_semaphore, #tpu.memory_space<semaphore_mem>>)
      %dma_wait3A_298 = arith.constant 0 : i32
      %dma_wait3A_299 = tpu.memref_slice %arg16[%run_scoped3A, %dma_wait3A_298] : memref<1x64xi32, #tpu.memory_space<vmem>> -> memref<1x64xi32, #tpu.memory_space<vmem>>
      %dma_wait3A_300 = tpu.memref_squeeze %dma_wait3A_299 : memref<1x64xi32, #tpu.memory_space<vmem>> -> memref<64xi32, #tpu.memory_space<vmem>>
      %dma_wait3A_301 = tpu.memref_slice %arg4[%mul3A_28] : memref<1024xi32, #tpu.memory_space<hbm>> -> memref<64xi32, #tpu.memory_space<hbm>>
      %dma_wait3A_302 = arith.constant 0 : i32
      %dma_wait3A_303 = tpu.memref_slice %arg16[%run_scoped3A, %dma_wait3A_302] : memref<1x64xi32, #tpu.memory_space<vmem>> -> memref<1x64xi32, #tpu.memory_space<vmem>>
      %dma_wait3A_304 = tpu.memref_squeeze %dma_wait3A_303 : memref<1x64xi32, #tpu.memory_space<vmem>> -> memref<64xi32, #tpu.memory_space<vmem>>
      %dma_wait3A_305 = tpu.memref_slice %arg4[%mul3A_28] : memref<1024xi32, #tpu.memory_space<hbm>> -> memref<64xi32, #tpu.memory_space<hbm>>
      tpu.wait_dma2 semaphore(%run_scoped3A_289 : memref<!tpu.dma_semaphore, #tpu.memory_space<semaphore_mem>>) src(%dma_wait3A_305 : memref<64xi32, #tpu.memory_space<hbm>>) dst(%dma_wait3A_304 : memref<64xi32, #tpu.memory_space<vmem>>)
      tpu.yield
    }) : () -> ()
    %mul3A_29 = arith.constant 64 : i32
    %mul3A_30 = arith.muli %arg1, %mul3A_29 : i32
    "tpu.region"() ({
      %run_scoped3A_289 = tpu.sem_alloc : memref<!tpu.dma_semaphore, #tpu.memory_space<semaphore_mem>>
      %dma_start3A_290 = arith.constant 0 : i32
      %dma_start3A_291 = tpu.memref_slice %arg5[%mul3A_30, %dma_start3A_290] : memref<1024x16xf32, #tpu.memory_space<hbm>> -> memref<64x16xf32, #tpu.memory_space<hbm>>
      %dma_start3A_292 = arith.constant 0 : i32
      %dma_start3A_293 = tpu.memref_slice %arg5[%mul3A_30, %dma_start3A_292] : memref<1024x16xf32, #tpu.memory_space<hbm>> -> memref<64x16xf32, #tpu.memory_space<hbm>>
      tpu.enqueue_dma source(%dma_start3A_293 : memref<64x16xf32, #tpu.memory_space<hbm>>) target(%arg17 : memref<64x16xf32, #tpu.memory_space<vmem>>) target_semaphore(%run_scoped3A_289 : memref<!tpu.dma_semaphore, #tpu.memory_space<semaphore_mem>>)
      %dma_wait3A_294 = arith.constant 0 : i32
      %dma_wait3A_295 = tpu.memref_slice %arg5[%mul3A_30, %dma_wait3A_294] : memref<1024x16xf32, #tpu.memory_space<hbm>> -> memref<64x16xf32, #tpu.memory_space<hbm>>
      %dma_wait3A_296 = arith.constant 0 : i32
      %dma_wait3A_297 = tpu.memref_slice %arg5[%mul3A_30, %dma_wait3A_296] : memref<1024x16xf32, #tpu.memory_space<hbm>> -> memref<64x16xf32, #tpu.memory_space<hbm>>
      tpu.wait_dma2 semaphore(%run_scoped3A_289 : memref<!tpu.dma_semaphore, #tpu.memory_space<semaphore_mem>>) src(%dma_wait3A_297 : memref<64x16xf32, #tpu.memory_space<hbm>>) dst(%arg17 : memref<64x16xf32, #tpu.memory_space<vmem>>)
      tpu.yield
    }) : () -> ()
    %barrier3A = arith.constant 0 : index
    tpu.barrier barrier_id(%barrier3A)
    %get3A = arith.constant 0 : i32
    %get3A_31 = arith.index_cast %get3A : i32 to index
    %get3A_32 = arith.constant 0 : index
    %get3A_33 = tpu.vector_load %arg10[%get3A_31, %get3A_32] {strides = array<i32>} : memref<125x80xi32, #tpu.memory_space<vmem>>, vector<1x16xi32>,
    %get3A_34 = vector.shape_cast %get3A_33 : vector<1x16xi32> to vector<16xi32>
    %and3A = arith.constant 65535 : i32
    %and3A_35 = vector.broadcast %and3A : i32 to vector<16xi32>
    %and3A_36 = arith.andi %get3A_34, %and3A_35 : vector<16xi32>
    %swap3A = arith.constant 0 : i32
    %swap3A_37 = arith.index_cast %swap3A : i32 to index
    %swap3A_38 = arith.constant 0 : index
    %swap3A_39 = tpu.vector_load %arg11[%swap3A_37, %swap3A_38] {strides = array<i32>} : memref<2x80xi32, #tpu.memory_space<vmem>>, vector<1x16xi32>,
    %swap3A_40 = vector.shape_cast %swap3A_39 : vector<1x16xi32> to vector<16xi32>
    %swap3A_41 = vector.shape_cast %and3A_36 : vector<16xi32> to vector<1x16xi32>
    tpu.vector_store %arg11[%swap3A_37, %swap3A_38], %swap3A_41 {strides = array<i32>} : memref<2x80xi32, #tpu.memory_space<vmem>>, vector<1x16xi32>,
    %shift_right_logical3A = arith.constant 16 : i32
    %shift_right_logical3A_42 = vector.broadcast %shift_right_logical3A : i32 to vector<16xi32>
    %shift_right_logical3A_43 = arith.shrui %get3A_34, %shift_right_logical3A_42 : vector<16xi32>
    %swap3A_44 = arith.constant 0 : i32
    %swap3A_45 = arith.index_cast %swap3A_44 : i32 to index
    %swap3A_46 = arith.constant 0 : index
    %swap3A_47 = tpu.vector_load %arg12[%swap3A_45, %swap3A_46] {strides = array<i32>} : memref<2x80xi32, #tpu.memory_space<vmem>>, vector<1x16xi32>,
    %swap3A_48 = vector.shape_cast %swap3A_47 : vector<1x16xi32> to vector<16xi32>
    %swap3A_49 = vector.shape_cast %shift_right_logical3A_43 : vector<16xi32> to vector<1x16xi32>
    tpu.vector_store %arg12[%swap3A_45, %swap3A_46], %swap3A_49 {strides = array<i32>} : memref<2x80xi32, #tpu.memory_space<vmem>>, vector<1x16xi32>,
    %get3A_50 = arith.constant 0 : i32
    %get3A_51 = arith.index_cast %get3A_50 : i32 to index
    %get3A_52 = arith.constant 16 : index
    %get3A_53 = tpu.vector_load %arg10[%get3A_51, %get3A_52] {strides = array<i32>} : memref<125x80xi32, #tpu.memory_space<vmem>>, vector<1x16xi32>,
    %get3A_54 = vector.shape_cast %get3A_53 : vector<1x16xi32> to vector<16xi32>
    %and3A_55 = arith.constant 65535 : i32
    %and3A_56 = vector.broadcast %and3A_55 : i32 to vector<16xi32>
    %and3A_57 = arith.andi %get3A_54, %and3A_56 : vector<16xi32>
    %swap3A_58 = arith.constant 0 : i32
    %swap3A_59 = arith.index_cast %swap3A_58 : i32 to index
    %swap3A_60 = arith.constant 16 : index
    %swap3A_61 = tpu.vector_load %arg11[%swap3A_59, %swap3A_60] {strides = array<i32>} : memref<2x80xi32, #tpu.memory_space<vmem>>, vector<1x16xi32>,
    %swap3A_62 = vector.shape_cast %swap3A_61 : vector<1x16xi32> to vector<16xi32>
    %swap3A_63 = vector.shape_cast %and3A_57 : vector<16xi32> to vector<1x16xi32>
    tpu.vector_store %arg11[%swap3A_59, %swap3A_60], %swap3A_63 {strides = array<i32>} : memref<2x80xi32, #tpu.memory_space<vmem>>, vector<1x16xi32>,
    %shift_right_logical3A_64 = arith.constant 16 : i32
    %shift_right_logical3A_65 = vector.broadcast %shift_right_logical3A_64 : i32 to vector<16xi32>
    %shift_right_logical3A_66 = arith.shrui %get3A_54, %shift_right_logical3A_65 : vector<16xi32>
    %swap3A_67 = arith.constant 0 : i32
    %swap3A_68 = arith.index_cast %swap3A_67 : i32 to index
    %swap3A_69 = arith.constant 16 : index
    %swap3A_70 = tpu.vector_load %arg12[%swap3A_68, %swap3A_69] {strides = array<i32>} : memref<2x80xi32, #tpu.memory_space<vmem>>, vector<1x16xi32>,
    %swap3A_71 = vector.shape_cast %swap3A_70 : vector<1x16xi32> to vector<16xi32>
    %swap3A_72 = vector.shape_cast %shift_right_logical3A_66 : vector<16xi32> to vector<1x16xi32>
    tpu.vector_store %arg12[%swap3A_68, %swap3A_69], %swap3A_72 {strides = array<i32>} : memref<2x80xi32, #tpu.memory_space<vmem>>, vector<1x16xi32>,
    %get3A_73 = arith.constant 0 : i32
    %get3A_74 = arith.index_cast %get3A_73 : i32 to index
    %get3A_75 = arith.constant 32 : index
    %get3A_76 = tpu.vector_load %arg10[%get3A_74, %get3A_75] {strides = array<i32>} : memref<125x80xi32, #tpu.memory_space<vmem>>, vector<1x16xi32>,
    %get3A_77 = vector.shape_cast %get3A_76 : vector<1x16xi32> to vector<16xi32>
    %and3A_78 = arith.constant 65535 : i32
    %and3A_79 = vector.broadcast %and3A_78 : i32 to vector<16xi32>
    %and3A_80 = arith.andi %get3A_77, %and3A_79 : vector<16xi32>
    %swap3A_81 = arith.constant 0 : i32
    %swap3A_82 = arith.index_cast %swap3A_81 : i32 to index
    %swap3A_83 = arith.constant 32 : index
    %swap3A_84 = tpu.vector_load %arg11[%swap3A_82, %swap3A_83] {strides = array<i32>} : memref<2x80xi32, #tpu.memory_space<vmem>>, vector<1x16xi32>,
    %swap3A_85 = vector.shape_cast %swap3A_84 : vector<1x16xi32> to vector<16xi32>
    %swap3A_86 = vector.shape_cast %and3A_80 : vector<16xi32> to vector<1x16xi32>
    tpu.vector_store %arg11[%swap3A_82, %swap3A_83], %swap3A_86 {strides = array<i32>} : memref<2x80xi32, #tpu.memory_space<vmem>>, vector<1x16xi32>,
    %shift_right_logical3A_87 = arith.constant 16 : i32
    %shift_right_logical3A_88 = vector.broadcast %shift_right_logical3A_87 : i32 to vector<16xi32>
    %shift_right_logical3A_89 = arith.shrui %get3A_77, %shift_right_logical3A_88 : vector<16xi32>
    %swap3A_90 = arith.constant 0 : i32
    %swap3A_91 = arith.index_cast %swap3A_90 : i32 to index
    %swap3A_92 = arith.constant 32 : index
    %swap3A_93 = tpu.vector_load %arg12[%swap3A_91, %swap3A_92] {strides = array<i32>} : memref<2x80xi32, #tpu.memory_space<vmem>>, vector<1x16xi32>,
    %swap3A_94 = vector.shape_cast %swap3A_93 : vector<1x16xi32> to vector<16xi32>
    %swap3A_95 = vector.shape_cast %shift_right_logical3A_89 : vector<16xi32> to vector<1x16xi32>
    tpu.vector_store %arg12[%swap3A_91, %swap3A_92], %swap3A_95 {strides = array<i32>} : memref<2x80xi32, #tpu.memory_space<vmem>>, vector<1x16xi32>,
    %get3A_96 = arith.constant 0 : i32
    %get3A_97 = arith.index_cast %get3A_96 : i32 to index
    %get3A_98 = arith.constant 48 : index
    %get3A_99 = tpu.vector_load %arg10[%get3A_97, %get3A_98] {strides = array<i32>} : memref<125x80xi32, #tpu.memory_space<vmem>>, vector<1x16xi32>,
    %get3A_100 = vector.shape_cast %get3A_99 : vector<1x16xi32> to vector<16xi32>
    %and3A_101 = arith.constant 65535 : i32
    %and3A_102 = vector.broadcast %and3A_101 : i32 to vector<16xi32>
    %and3A_103 = arith.andi %get3A_100, %and3A_102 : vector<16xi32>
    %swap3A_104 = arith.constant 0 : i32
    %swap3A_105 = arith.index_cast %swap3A_104 : i32 to index
    %swap3A_106 = arith.constant 48 : index
    %swap3A_107 = tpu.vector_load %arg11[%swap3A_105, %swap3A_106] {strides = array<i32>} : memref<2x80xi32, #tpu.memory_space<vmem>>, vector<1x16xi32>,
    %swap3A_108 = vector.shape_cast %swap3A_107 : vector<1x16xi32> to vector<16xi32>
    %swap3A_109 = vector.shape_cast %and3A_103 : vector<16xi32> to vector<1x16xi32>
    tpu.vector_store %arg11[%swap3A_105, %swap3A_106], %swap3A_109 {strides = array<i32>} : memref<2x80xi32, #tpu.memory_space<vmem>>, vector<1x16xi32>,
    %shift_right_logical3A_110 = arith.constant 16 : i32
    %shift_right_logical3A_111 = vector.broadcast %shift_right_logical3A_110 : i32 to vector<16xi32>
    %shift_right_logical3A_112 = arith.shrui %get3A_100, %shift_right_logical3A_111 : vector<16xi32>
    %swap3A_113 = arith.constant 0 : i32
    %swap3A_114 = arith.index_cast %swap3A_113 : i32 to index
    %swap3A_115 = arith.constant 48 : index
    %swap3A_116 = tpu.vector_load %arg12[%swap3A_114, %swap3A_115] {strides = array<i32>} : memref<2x80xi32, #tpu.memory_space<vmem>>, vector<1x16xi32>,
    %swap3A_117 = vector.shape_cast %swap3A_116 : vector<1x16xi32> to vector<16xi32>
    %swap3A_118 = vector.shape_cast %shift_right_logical3A_112 : vector<16xi32> to vector<1x16xi32>
    tpu.vector_store %arg12[%swap3A_114, %swap3A_115], %swap3A_118 {strides = array<i32>} : memref<2x80xi32, #tpu.memory_space<vmem>>, vector<1x16xi32>,
    %get3A_119 = arith.constant 0 : i32
    %get3A_120 = arith.index_cast %get3A_119 : i32 to index
    %get3A_121 = arith.constant 64 : index
    %get3A_122 = tpu.vector_load %arg10[%get3A_120, %get3A_121] {strides = array<i32>} : memref<125x80xi32, #tpu.memory_space<vmem>>, vector<1x16xi32>,
    %get3A_123 = vector.shape_cast %get3A_122 : vector<1x16xi32> to vector<16xi32>
    %and3A_124 = arith.constant 65535 : i32
    %and3A_125 = vector.broadcast %and3A_124 : i32 to vector<16xi32>
    %and3A_126 = arith.andi %get3A_123, %and3A_125 : vector<16xi32>
    %swap3A_127 = arith.constant 0 : i32
    %swap3A_128 = arith.index_cast %swap3A_127 : i32 to index
    %swap3A_129 = arith.constant 64 : index
    %swap3A_130 = tpu.vector_load %arg11[%swap3A_128, %swap3A_129] {strides = array<i32>} : memref<2x80xi32, #tpu.memory_space<vmem>>, vector<1x16xi32>,
    %swap3A_131 = vector.shape_cast %swap3A_130 : vector<1x16xi32> to vector<16xi32>
    %swap3A_132 = vector.shape_cast %and3A_126 : vector<16xi32> to vector<1x16xi32>
    tpu.vector_store %arg11[%swap3A_128, %swap3A_129], %swap3A_132 {strides = array<i32>} : memref<2x80xi32, #tpu.memory_space<vmem>>, vector<1x16xi32>,
    %shift_right_logical3A_133 = arith.constant 16 : i32
    %shift_right_logical3A_134 = vector.broadcast %shift_right_logical3A_133 : i32 to vector<16xi32>
    %shift_right_logical3A_135 = arith.shrui %get3A_123, %shift_right_logical3A_134 : vector<16xi32>
    %swap3A_136 = arith.constant 0 : i32
    %swap3A_137 = arith.index_cast %swap3A_136 : i32 to index
    %swap3A_138 = arith.constant 64 : index
    %swap3A_139 = tpu.vector_load %arg12[%swap3A_137, %swap3A_138] {strides = array<i32>} : memref<2x80xi32, #tpu.memory_space<vmem>>, vector<1x16xi32>,
    %swap3A_140 = vector.shape_cast %swap3A_139 : vector<1x16xi32> to vector<16xi32>
    %swap3A_141 = vector.shape_cast %shift_right_logical3A_135 : vector<16xi32> to vector<1x16xi32>
    tpu.vector_store %arg12[%swap3A_137, %swap3A_138], %swap3A_141 {strides = array<i32>} : memref<2x80xi32, #tpu.memory_space<vmem>>, vector<1x16xi32>,
    %get3A_142 = arith.constant 1 : i32
    %get3A_143 = arith.index_cast %get3A_142 : i32 to index
    %get3A_144 = arith.constant 0 : index
    %get3A_145 = tpu.vector_load %arg10[%get3A_143, %get3A_144] {strides = array<i32>} : memref<125x80xi32, #tpu.memory_space<vmem>>, vector<1x16xi32>,
    %get3A_146 = vector.shape_cast %get3A_145 : vector<1x16xi32> to vector<16xi32>
    %and3A_147 = arith.constant 65535 : i32
    %and3A_148 = vector.broadcast %and3A_147 : i32 to vector<16xi32>
    %and3A_149 = arith.andi %get3A_146, %and3A_148 : vector<16xi32>
    %swap3A_150 = arith.constant 1 : i32
    %swap3A_151 = arith.index_cast %swap3A_150 : i32 to index
    %swap3A_152 = arith.constant 0 : index
    %swap3A_153 = tpu.vector_load %arg11[%swap3A_151, %swap3A_152] {strides = array<i32>} : memref<2x80xi32, #tpu.memory_space<vmem>>, vector<1x16xi32>,
    %swap3A_154 = vector.shape_cast %swap3A_153 : vector<1x16xi32> to vector<16xi32>
    %swap3A_155 = vector.shape_cast %and3A_149 : vector<16xi32> to vector<1x16xi32>
    tpu.vector_store %arg11[%swap3A_151, %swap3A_152], %swap3A_155 {strides = array<i32>} : memref<2x80xi32, #tpu.memory_space<vmem>>, vector<1x16xi32>,
    %shift_right_logical3A_156 = arith.constant 16 : i32
    %shift_right_logical3A_157 = vector.broadcast %shift_right_logical3A_156 : i32 to vector<16xi32>
    %shift_right_logical3A_158 = arith.shrui %get3A_146, %shift_right_logical3A_157 : vector<16xi32>
    %swap3A_159 = arith.constant 1 : i32
    %swap3A_160 = arith.index_cast %swap3A_159 : i32 to index
    %swap3A_161 = arith.constant 0 : index
    %swap3A_162 = tpu.vector_load %arg12[%swap3A_160, %swap3A_161] {strides = array<i32>} : memref<2x80xi32, #tpu.memory_space<vmem>>, vector<1x16xi32>,
    %swap3A_163 = vector.shape_cast %swap3A_162 : vector<1x16xi32> to vector<16xi32>
    %swap3A_164 = vector.shape_cast %shift_right_logical3A_158 : vector<16xi32> to vector<1x16xi32>
    tpu.vector_store %arg12[%swap3A_160, %swap3A_161], %swap3A_164 {strides = array<i32>} : memref<2x80xi32, #tpu.memory_space<vmem>>, vector<1x16xi32>,
    %get3A_165 = arith.constant 1 : i32
    %get3A_166 = arith.index_cast %get3A_165 : i32 to index
    %get3A_167 = arith.constant 16 : index
    %get3A_168 = tpu.vector_load %arg10[%get3A_166, %get3A_167] {strides = array<i32>} : memref<125x80xi32, #tpu.memory_space<vmem>>, vector<1x16xi32>,
    %get3A_169 = vector.shape_cast %get3A_168 : vector<1x16xi32> to vector<16xi32>
    %and3A_170 = arith.constant 65535 : i32
    %and3A_171 = vector.broadcast %and3A_170 : i32 to vector<16xi32>
    %and3A_172 = arith.andi %get3A_169, %and3A_171 : vector<16xi32>
    %swap3A_173 = arith.constant 1 : i32
    %swap3A_174 = arith.index_cast %swap3A_173 : i32 to index
    %swap3A_175 = arith.constant 16 : index
    %swap3A_176 = tpu.vector_load %arg11[%swap3A_174, %swap3A_175] {strides = array<i32>} : memref<2x80xi32, #tpu.memory_space<vmem>>, vector<1x16xi32>,
    %swap3A_177 = vector.shape_cast %swap3A_176 : vector<1x16xi32> to vector<16xi32>
    %swap3A_178 = vector.shape_cast %and3A_172 : vector<16xi32> to vector<1x16xi32>
    tpu.vector_store %arg11[%swap3A_174, %swap3A_175], %swap3A_178 {strides = array<i32>} : memref<2x80xi32, #tpu.memory_space<vmem>>, vector<1x16xi32>,
    %shift_right_logical3A_179 = arith.constant 16 : i32
    %shift_right_logical3A_180 = vector.broadcast %shift_right_logical3A_179 : i32 to vector<16xi32>
    %shift_right_logical3A_181 = arith.shrui %get3A_169, %shift_right_logical3A_180 : vector<16xi32>
    %swap3A_182 = arith.constant 1 : i32
    %swap3A_183 = arith.index_cast %swap3A_182 : i32 to index
    %swap3A_184 = arith.constant 16 : index
    %swap3A_185 = tpu.vector_load %arg12[%swap3A_183, %swap3A_184] {strides = array<i32>} : memref<2x80xi32, #tpu.memory_space<vmem>>, vector<1x16xi32>,
    %swap3A_186 = vector.shape_cast %swap3A_185 : vector<1x16xi32> to vector<16xi32>
    %swap3A_187 = vector.shape_cast %shift_right_logical3A_181 : vector<16xi32> to vector<1x16xi32>
    tpu.vector_store %arg12[%swap3A_183, %swap3A_184], %swap3A_187 {strides = array<i32>} : memref<2x80xi32, #tpu.memory_space<vmem>>, vector<1x16xi32>,
    %get3A_188 = arith.constant 1 : i32
    %get3A_189 = arith.index_cast %get3A_188 : i32 to index
    %get3A_190 = arith.constant 32 : index
    %get3A_191 = tpu.vector_load %arg10[%get3A_189, %get3A_190] {strides = array<i32>} : memref<125x80xi32, #tpu.memory_space<vmem>>, vector<1x16xi32>,
    %get3A_192 = vector.shape_cast %get3A_191 : vector<1x16xi32> to vector<16xi32>
    %and3A_193 = arith.constant 65535 : i32
    %and3A_194 = vector.broadcast %and3A_193 : i32 to vector<16xi32>
    %and3A_195 = arith.andi %get3A_192, %and3A_194 : vector<16xi32>
    %swap3A_196 = arith.constant 1 : i32
    %swap3A_197 = arith.index_cast %swap3A_196 : i32 to index
    %swap3A_198 = arith.constant 32 : index
    %swap3A_199 = tpu.vector_load %arg11[%swap3A_197, %swap3A_198] {strides = array<i32>} : memref<2x80xi32, #tpu.memory_space<vmem>>, vector<1x16xi32>,
    %swap3A_200 = vector.shape_cast %swap3A_199 : vector<1x16xi32> to vector<16xi32>
    %swap3A_201 = vector.shape_cast %and3A_195 : vector<16xi32> to vector<1x16xi32>
    tpu.vector_store %arg11[%swap3A_197, %swap3A_198], %swap3A_201 {strides = array<i32>} : memref<2x80xi32, #tpu.memory_space<vmem>>, vector<1x16xi32>,
    %shift_right_logical3A_202 = arith.constant 16 : i32
    %shift_right_logical3A_203 = vector.broadcast %shift_right_logical3A_202 : i32 to vector<16xi32>
    %shift_right_logical3A_204 = arith.shrui %get3A_192, %shift_right_logical3A_203 : vector<16xi32>
    %swap3A_205 = arith.constant 1 : i32
    %swap3A_206 = arith.index_cast %swap3A_205 : i32 to index
    %swap3A_207 = arith.constant 32 : index
    %swap3A_208 = tpu.vector_load %arg12[%swap3A_206, %swap3A_207] {strides = array<i32>} : memref<2x80xi32, #tpu.memory_space<vmem>>, vector<1x16xi32>,
    %swap3A_209 = vector.shape_cast %swap3A_208 : vector<1x16xi32> to vector<16xi32>
    %swap3A_210 = vector.shape_cast %shift_right_logical3A_204 : vector<16xi32> to vector<1x16xi32>
    tpu.vector_store %arg12[%swap3A_206, %swap3A_207], %swap3A_210 {strides = array<i32>} : memref<2x80xi32, #tpu.memory_space<vmem>>, vector<1x16xi32>,
    %get3A_211 = arith.constant 1 : i32
    %get3A_212 = arith.index_cast %get3A_211 : i32 to index
    %get3A_213 = arith.constant 48 : index
    %get3A_214 = tpu.vector_load %arg10[%get3A_212, %get3A_213] {strides = array<i32>} : memref<125x80xi32, #tpu.memory_space<vmem>>, vector<1x16xi32>,
    %get3A_215 = vector.shape_cast %get3A_214 : vector<1x16xi32> to vector<16xi32>
    %and3A_216 = arith.constant 65535 : i32
    %and3A_217 = vector.broadcast %and3A_216 : i32 to vector<16xi32>
    %and3A_218 = arith.andi %get3A_215, %and3A_217 : vector<16xi32>
    %swap3A_219 = arith.constant 1 : i32
    %swap3A_220 = arith.index_cast %swap3A_219 : i32 to index
    %swap3A_221 = arith.constant 48 : index
    %swap3A_222 = tpu.vector_load %arg11[%swap3A_220, %swap3A_221] {strides = array<i32>} : memref<2x80xi32, #tpu.memory_space<vmem>>, vector<1x16xi32>,
    %swap3A_223 = vector.shape_cast %swap3A_222 : vector<1x16xi32> to vector<16xi32>
    %swap3A_224 = vector.shape_cast %and3A_218 : vector<16xi32> to vector<1x16xi32>
    tpu.vector_store %arg11[%swap3A_220, %swap3A_221], %swap3A_224 {strides = array<i32>} : memref<2x80xi32, #tpu.memory_space<vmem>>, vector<1x16xi32>,
    %shift_right_logical3A_225 = arith.constant 16 : i32
    %shift_right_logical3A_226 = vector.broadcast %shift_right_logical3A_225 : i32 to vector<16xi32>
    %shift_right_logical3A_227 = arith.shrui %get3A_215, %shift_right_logical3A_226 : vector<16xi32>
    %swap3A_228 = arith.constant 1 : i32
    %swap3A_229 = arith.index_cast %swap3A_228 : i32 to index
    %swap3A_230 = arith.constant 48 : index
    %swap3A_231 = tpu.vector_load %arg12[%swap3A_229, %swap3A_230] {strides = array<i32>} : memref<2x80xi32, #tpu.memory_space<vmem>>, vector<1x16xi32>,
    %swap3A_232 = vector.shape_cast %swap3A_231 : vector<1x16xi32> to vector<16xi32>
    %swap3A_233 = vector.shape_cast %shift_right_logical3A_227 : vector<16xi32> to vector<1x16xi32>
    tpu.vector_store %arg12[%swap3A_229, %swap3A_230], %swap3A_233 {strides = array<i32>} : memref<2x80xi32, #tpu.memory_space<vmem>>, vector<1x16xi32>,
    %get3A_234 = arith.constant 1 : i32
    %get3A_235 = arith.index_cast %get3A_234 : i32 to index
    %get3A_236 = arith.constant 64 : index
    %get3A_237 = tpu.vector_load %arg10[%get3A_235, %get3A_236] {strides = array<i32>} : memref<125x80xi32, #tpu.memory_space<vmem>>, vector<1x16xi32>,
    %get3A_238 = vector.shape_cast %get3A_237 : vector<1x16xi32> to vector<16xi32>
    %and3A_239 = arith.constant 65535 : i32
    %and3A_240 = vector.broadcast %and3A_239 : i32 to vector<16xi32>
    %and3A_241 = arith.andi %get3A_238, %and3A_240 : vector<16xi32>
    %swap3A_242 = arith.constant 1 : i32
    %swap3A_243 = arith.index_cast %swap3A_242 : i32 to index
    %swap3A_244 = arith.constant 64 : index
    %swap3A_245 = tpu.vector_load %arg11[%swap3A_243, %swap3A_244] {strides = array<i32>} : memref<2x80xi32, #tpu.memory_space<vmem>>, vector<1x16xi32>,
    %swap3A_246 = vector.shape_cast %swap3A_245 : vector<1x16xi32> to vector<16xi32>
    %swap3A_247 = vector.shape_cast %and3A_241 : vector<16xi32> to vector<1x16xi32>
    tpu.vector_store %arg11[%swap3A_243, %swap3A_244], %swap3A_247 {strides = array<i32>} : memref<2x80xi32, #tpu.memory_space<vmem>>, vector<1x16xi32>,
    %shift_right_logical3A_248 = arith.constant 16 : i32
    %shift_right_logical3A_249 = vector.broadcast %shift_right_logical3A_248 : i32 to vector<16xi32>
    %shift_right_logical3A_250 = arith.shrui %get3A_238, %shift_right_logical3A_249 : vector<16xi32>
    %swap3A_251 = arith.constant 1 : i32
    %swap3A_252 = arith.index_cast %swap3A_251 : i32 to index
    %swap3A_253 = arith.constant 64 : index
    %swap3A_254 = tpu.vector_load %arg12[%swap3A_252, %swap3A_253] {strides = array<i32>} : memref<2x80xi32, #tpu.memory_space<vmem>>, vector<1x16xi32>,
    %swap3A_255 = vector.shape_cast %swap3A_254 : vector<1x16xi32> to vector<16xi32>
    %swap3A_256 = vector.shape_cast %shift_right_logical3A_250 : vector<16xi32> to vector<1x16xi32>
    tpu.vector_store %arg12[%swap3A_252, %swap3A_253], %swap3A_256 {strides = array<i32>} : memref<2x80xi32, #tpu.memory_space<vmem>>, vector<1x16xi32>,
    %dma_start3A = arith.constant 0 : i32
    %dma_start3A_257 = arith.constant 0 : i32
    %dma_start3A_258 = tpu.memref_slice %arg11[%dma_start3A, %dma_start3A_257] : memref<2x80xi32, #tpu.memory_space<vmem>> -> memref<1x80xi32, #tpu.memory_space<vmem>>
    %dma_start3A_259 = tpu.memref_squeeze %dma_start3A_258 : memref<1x80xi32, #tpu.memory_space<vmem>> -> memref<80xi32, #tpu.memory_space<vmem>>
    %dma_start3A_260 = arith.constant 0 : i32
    %dma_start3A_261 = arith.constant 0 : i32
    %dma_start3A_262 = tpu.memref_slice %arg3[%dma_start3A_260, %dma_start3A_261] : memref<10000x128xf32, #tpu.memory_space<hbm>> -> memref<10000x128xf32, #tpu.memory_space<hbm>>
    tpu.enqueue_indirect_dma source(%dma_start3A_262 : memref<10000x128xf32, #tpu.memory_space<hbm>>) target(%arg13 : memref<80x128xf32, #tpu.memory_space<vmem>>) offsets(%dma_start3A_259 : memref<80xi32, #tpu.memory_space<vmem>>) semaphore(%arg20 : memref<!tpu.dma_semaphore, #tpu.memory_space<semaphore_mem>>)
    %dma_start3A_263 = arith.constant 1 : i32
    %dma_start3A_264 = arith.constant 0 : i32
    %dma_start3A_265 = tpu.memref_slice %arg11[%dma_start3A_263, %dma_start3A_264] : memref<2x80xi32, #tpu.memory_space<vmem>> -> memref<1x80xi32, #tpu.memory_space<vmem>>
    %dma_start3A_266 = tpu.memref_squeeze %dma_start3A_265 : memref<1x80xi32, #tpu.memory_space<vmem>> -> memref<80xi32, #tpu.memory_space<vmem>>
    %dma_start3A_267 = arith.constant 0 : i32
    %dma_start3A_268 = arith.constant 0 : i32
    %dma_start3A_269 = tpu.memref_slice %arg3[%dma_start3A_267, %dma_start3A_268] : memref<10000x128xf32, #tpu.memory_space<hbm>> -> memref<10000x128xf32, #tpu.memory_space<hbm>>
    tpu.enqueue_indirect_dma source(%dma_start3A_269 : memref<10000x128xf32, #tpu.memory_space<hbm>>) target(%arg14 : memref<80x128xf32, #tpu.memory_space<vmem>>) offsets(%dma_start3A_266 : memref<80xi32, #tpu.memory_space<vmem>>) semaphore(%arg21 : memref<!tpu.dma_semaphore, #tpu.memory_space<semaphore_mem>>)
    %scan3A_270 = arith.constant 0 : i32
    %scan3A_271 = arith.constant 0 : i32
    %scan3A_272 = arith.constant 62 : i32
    %scan3A_273 = arith.addi %scan3A_271, %scan3A_272 : i32
    %scan3A_274 = arith.constant 1 : i32
    scf.for %scan3A_289 = %scan3A_271 to %scan3A_273 step %scan3A_274  : i32 {
      %mul3A_290 = arith.constant 2 : i32
      %mul3A_291 = arith.muli %mul3A_290, %scan3A_289 : i32
      %add3A_292 = arith.constant 2 : i32
      %add3A_293 = arith.addi %mul3A_291, %add3A_292 : i32
      %mul3A_294 = arith.constant 2 : i32
      %mul3A_295 = arith.muli %mul3A_294, %scan3A_289 : i32
      %add3A_296 = arith.constant 3 : i32
      %add3A_297 = arith.addi %mul3A_295, %add3A_296 : i32
      %dma_wait3A_298 = arith.constant 0 : i32
      %dma_wait3A_299 = arith.constant 0 : i32
      %dma_wait3A_300 = tpu.memref_slice %arg11[%dma_wait3A_298, %dma_wait3A_299] : memref<2x80xi32, #tpu.memory_space<vmem>> -> memref<1x80xi32, #tpu.memory_space<vmem>>
      %dma_wait3A_301 = tpu.memref_squeeze %dma_wait3A_300 : memref<1x80xi32, #tpu.memory_space<vmem>> -> memref<80xi32, #tpu.memory_space<vmem>>
      %dma_wait3A_302 = arith.constant 0 : i32
      %dma_wait3A_303 = arith.constant 0 : i32
      %dma_wait3A_304 = tpu.memref_slice %arg3[%dma_wait3A_302, %dma_wait3A_303] : memref<10000x128xf32, #tpu.memory_space<hbm>> -> memref<10000x128xf32, #tpu.memory_space<hbm>>
      tpu.wait_indirect_dma semaphore(%arg20 : memref<!tpu.dma_semaphore, #tpu.memory_space<semaphore_mem>>) src(%dma_wait3A_304 : memref<10000x128xf32, #tpu.memory_space<hbm>>) dst(%arg13 : memref<80x128xf32, #tpu.memory_space<vmem>>)
      %run_scoped3A_305 = arith.constant 0 : i32
      "tpu.region"() ({
        %run_scoped3A_435 = tpu.sem_alloc : memref<!tpu.dma_semaphore, #tpu.memory_space<semaphore_mem>>
        %dma_start3A_436 = arith.constant 0 : i32
        %dma_start3A_437 = tpu.memref_slice %arg12[%run_scoped3A_305, %dma_start3A_436] : memref<2x80xi32, #tpu.memory_space<vmem>> -> memref<1x80xi32, #tpu.memory_space<vmem>>
        %dma_start3A_438 = tpu.memref_squeeze %dma_start3A_437 : memref<1x80xi32, #tpu.memory_space<vmem>> -> memref<80xi32, #tpu.memory_space<vmem>>
        %dma_start3A_439 = arith.constant 0 : i32
        %dma_start3A_440 = arith.constant 0 : i32
        %dma_start3A_441 = tpu.memref_slice %arg18[%dma_start3A_439, %dma_start3A_440] : memref<10000x128xf32, #tpu.memory_space<vmem_shared>> -> memref<10000x128xf32, #tpu.memory_space<vmem_shared>>
        tpu.enqueue_indirect_dma source(%arg13 : memref<80x128xf32, #tpu.memory_space<vmem>>) target(%dma_start3A_441 : memref<10000x128xf32, #tpu.memory_space<vmem_shared>>) offsets(%dma_start3A_438 : memref<80xi32, #tpu.memory_space<vmem>>) semaphore(%run_scoped3A_435 : memref<!tpu.dma_semaphore, #tpu.memory_space<semaphore_mem>>) {add = true}
        %dma_wait3A_442 = arith.constant 0 : i32
        %dma_wait3A_443 = tpu.memref_slice %arg12[%run_scoped3A_305, %dma_wait3A_442] : memref<2x80xi32, #tpu.memory_space<vmem>> -> memref<1x80xi32, #tpu.memory_space<vmem>>
        %dma_wait3A_444 = tpu.memref_squeeze %dma_wait3A_443 : memref<1x80xi32, #tpu.memory_space<vmem>> -> memref<80xi32, #tpu.memory_space<vmem>>
        %dma_wait3A_445 = arith.constant 0 : i32
        %dma_wait3A_446 = arith.constant 0 : i32
        %dma_wait3A_447 = tpu.memref_slice %arg18[%dma_wait3A_445, %dma_wait3A_446] : memref<10000x128xf32, #tpu.memory_space<vmem_shared>> -> memref<10000x128xf32, #tpu.memory_space<vmem_shared>>
        tpu.wait_indirect_dma semaphore(%run_scoped3A_435 : memref<!tpu.dma_semaphore, #tpu.memory_space<semaphore_mem>>) src(%arg13 : memref<80x128xf32, #tpu.memory_space<vmem>>) dst(%dma_wait3A_447 : memref<10000x128xf32, #tpu.memory_space<vmem_shared>>)
        tpu.yield
      }) : () -> ()
      %run_scoped3A_306 = arith.constant 0 : i32
      "tpu.region"() ({
        %run_scoped3A_435 = tpu.sem_alloc : memref<!tpu.dma_semaphore, #tpu.memory_space<semaphore_mem>>
        %dma_start3A_436 = arith.constant 0 : i32
        %dma_start3A_437 = tpu.memref_slice %arg12[%run_scoped3A_306, %dma_start3A_436] : memref<2x80xi32, #tpu.memory_space<vmem>> -> memref<1x80xi32, #tpu.memory_space<vmem>>
        %dma_start3A_438 = tpu.memref_squeeze %dma_start3A_437 : memref<1x80xi32, #tpu.memory_space<vmem>> -> memref<80xi32, #tpu.memory_space<vmem>>
        %dma_start3A_439 = arith.constant 0 : i32
        %dma_start3A_440 = arith.constant 0 : i32
        %dma_start3A_441 = tpu.memref_slice %arg19[%dma_start3A_439, %dma_start3A_440] : memref<10000x16xf32, #tpu.memory_space<vmem_shared>> -> memref<10000x16xf32, #tpu.memory_space<vmem_shared>>
        tpu.enqueue_indirect_dma source(%arg15 : memref<80x16xf32, #tpu.memory_space<vmem>>) target(%dma_start3A_441 : memref<10000x16xf32, #tpu.memory_space<vmem_shared>>) offsets(%dma_start3A_438 : memref<80xi32, #tpu.memory_space<vmem>>) semaphore(%run_scoped3A_435 : memref<!tpu.dma_semaphore, #tpu.memory_space<semaphore_mem>>) {add = true}
        %dma_wait3A_442 = arith.constant 0 : i32
        %dma_wait3A_443 = tpu.memref_slice %arg12[%run_scoped3A_306, %dma_wait3A_442] : memref<2x80xi32, #tpu.memory_space<vmem>> -> memref<1x80xi32, #tpu.memory_space<vmem>>
        %dma_wait3A_444 = tpu.memref_squeeze %dma_wait3A_443 : memref<1x80xi32, #tpu.memory_space<vmem>> -> memref<80xi32, #tpu.memory_space<vmem>>
        %dma_wait3A_445 = arith.constant 0 : i32
        %dma_wait3A_446 = arith.constant 0 : i32
        %dma_wait3A_447 = tpu.memref_slice %arg19[%dma_wait3A_445, %dma_wait3A_446] : memref<10000x16xf32, #tpu.memory_space<vmem_shared>> -> memref<10000x16xf32, #tpu.memory_space<vmem_shared>>
        tpu.wait_indirect_dma semaphore(%run_scoped3A_435 : memref<!tpu.dma_semaphore, #tpu.memory_space<semaphore_mem>>) src(%arg15 : memref<80x16xf32, #tpu.memory_space<vmem>>) dst(%dma_wait3A_447 : memref<10000x16xf32, #tpu.memory_space<vmem_shared>>)
        tpu.yield
      }) : () -> ()
      %get3A_307 = arith.index_cast %add3A_293 : i32 to index
      %get3A_308 = arith.constant 0 : index
      %get3A_309 = tpu.vector_load %arg10[%get3A_307, %get3A_308] {strides = array<i32>} : memref<125x80xi32, #tpu.memory_space<vmem>>, vector<1x16xi32>,
      %get3A_310 = vector.shape_cast %get3A_309 : vector<1x16xi32> to vector<16xi32>
      %and3A_311 = arith.constant 65535 : i32
      %and3A_312 = vector.broadcast %and3A_311 : i32 to vector<16xi32>
      %and3A_313 = arith.andi %get3A_310, %and3A_312 : vector<16xi32>
      %swap3A_314 = arith.constant 0 : i32
      %swap3A_315 = arith.index_cast %swap3A_314 : i32 to index
      %swap3A_316 = arith.constant 0 : index
      %swap3A_317 = tpu.vector_load %arg11[%swap3A_315, %swap3A_316] {strides = array<i32>} : memref<2x80xi32, #tpu.memory_space<vmem>>, vector<1x16xi32>,
      %swap3A_318 = vector.shape_cast %swap3A_317 : vector<1x16xi32> to vector<16xi32>
      %swap3A_319 = vector.shape_cast %and3A_313 : vector<16xi32> to vector<1x16xi32>
      tpu.vector_store %arg11[%swap3A_315, %swap3A_316], %swap3A_319 {strides = array<i32>} : memref<2x80xi32, #tpu.memory_space<vmem>>, vector<1x16xi32>,
      %shift_right_logical3A_320 = arith.constant 16 : i32
      %shift_right_logical3A_321 = vector.broadcast %shift_right_logical3A_320 : i32 to vector<16xi32>
      %shift_right_logical3A_322 = arith.shrui %get3A_310, %shift_right_logical3A_321 : vector<16xi32>
      %swap3A_323 = arith.constant 0 : i32
      %swap3A_324 = arith.index_cast %swap3A_323 : i32 to index
      %swap3A_325 = arith.constant 0 : index
      %swap3A_326 = tpu.vector_load %arg12[%swap3A_324, %swap3A_325] {strides = array<i32>} : memref<2x80xi32, #tpu.memory_space<vmem>>, vector<1x16xi32>,
      %swap3A_327 = vector.shape_cast %swap3A_326 : vector<1x16xi32> to vector<16xi32>
      %swap3A_328 = vector.shape_cast %shift_right_logical3A_322 : vector<16xi32> to vector<1x16xi32>
      tpu.vector_store %arg12[%swap3A_324, %swap3A_325], %swap3A_328 {strides = array<i32>} : memref<2x80xi32, #tpu.memory_space<vmem>>, vector<1x16xi32>,
      %get3A_329 = arith.index_cast %add3A_293 : i32 to index
      %get3A_330 = arith.constant 16 : index
      %get3A_331 = tpu.vector_load %arg10[%get3A_329, %get3A_330] {strides = array<i32>} : memref<125x80xi32, #tpu.memory_space<vmem>>, vector<1x16xi32>,
      %get3A_332 = vector.shape_cast %get3A_331 : vector<1x16xi32> to vector<16xi32>
      %and3A_333 = arith.constant 65535 : i32
      %and3A_334 = vector.broadcast %and3A_333 : i32 to vector<16xi32>
      %and3A_335 = arith.andi %get3A_332, %and3A_334 : vector<16xi32>
      %swap3A_336 = arith.constant 0 : i32
      %swap3A_337 = arith.index_cast %swap3A_336 : i32 to index
      %swap3A_338 = arith.constant 16 : index
      %swap3A_339 = tpu.vector_load %arg11[%swap3A_337, %swap3A_338] {strides = array<i32>} : memref<2x80xi32, #tpu.memory_space<vmem>>, vector<1x16xi32>,
      %swap3A_340 = vector.shape_cast %swap3A_339 : vector<1x16xi32> to vector<16xi32>
      %swap3A_341 = vector.shape_cast %and3A_335 : vector<16xi32> to vector<1x16xi32>
      tpu.vector_store %arg11[%swap3A_337, %swap3A_338], %swap3A_341 {strides = array<i32>} : memref<2x80xi32, #tpu.memory_space<vmem>>, vector<1x16xi32>,
      %shift_right_logical3A_342 = arith.constant 16 : i32
      %shift_right_logical3A_343 = vector.broadcast %shift_right_logical3A_342 : i32 to vector<16xi32>
      %shift_right_logical3A_344 = arith.shrui %get3A_332, %shift_right_logical3A_343 : vector<16xi32>
      %swap3A_345 = arith.constant 0 : i32
      %swap3A_346 = arith.index_cast %swap3A_345 : i32 to index
      %swap3A_347 = arith.constant 16 : index
      %swap3A_348 = tpu.vector_load %arg12[%swap3A_346, %swap3A_347] {strides = array<i32>} : memref<2x80xi32, #tpu.memory_space<vmem>>, vector<1x16xi32>,
      %swap3A_349 = vector.shape_cast %swap3A_348 : vector<1x16xi32> to vector<16xi32>
      %swap3A_350 = vector.shape_cast %shift_right_logical3A_344 : vector<16xi32> to vector<1x16xi32>
      tpu.vector_store %arg12[%swap3A_346, %swap3A_347], %swap3A_350 {strides = array<i32>} : memref<2x80xi32, #tpu.memory_space<vmem>>, vector<1x16xi32>,
      %get3A_351 = arith.index_cast %add3A_293 : i32 to index
      %get3A_352 = arith.constant 32 : index
      %get3A_353 = tpu.vector_load %arg10[%get3A_351, %get3A_352] {strides = array<i32>} : memref<125x80xi32, #tpu.memory_space<vmem>>, vector<1x16xi32>,
      %get3A_354 = vector.shape_cast %get3A_353 : vector<1x16xi32> to vector<16xi32>
      %and3A_355 = arith.constant 65535 : i32
      %and3A_356 = vector.broadcast %and3A_355 : i32 to vector<16xi32>
      %and3A_357 = arith.andi %get3A_354, %and3A_356 : vector<16xi32>
      %swap3A_358 = arith.constant 0 : i32
      %swap3A_359 = arith.index_cast %swap3A_358 : i32 to index
      %swap3A_360 = arith.constant 32 : index
      %swap3A_361 = tpu.vector_load %arg11[%swap3A_359, %swap3A_360] {strides = array<i32>} : memref<2x80xi32, #tpu.memory_space<vmem>>, vector<1x16xi32>,
      %swap3A_362 = vector.shape_cast %swap3A_361 : vector<1x16xi32> to vector<16xi32>
      %swap3A_363 = vector.shape_cast %and3A_357 : vector<16xi32> to vector<1x16xi32>
      tpu.vector_store %arg11[%swap3A_359, %swap3A_360], %swap3A_363 {strides = array<i32>} : memref<2x80xi32, #tpu.memory_space<vmem>>, vector<1x16xi32>,
      %shift_right_logical3A_364 = arith.constant 16 : i32
      %shift_right_logical3A_365 = vector.broadcast %shift_right_logical3A_364 : i32 to vector<16xi32>
      %shift_right_logical3A_366 = arith.shrui %get3A_354, %shift_right_logical3A_365 : vector<16xi32>
      %swap3A_367 = arith.constant 0 : i32
      %swap3A_368 = arith.index_cast %swap3A_367 : i32 to index
      %swap3A_369 = arith.constant 32 : index
      %swap3A_370 = tpu.vector_load %arg12[%swap3A_368, %swap3A_369] {strides = array<i32>} : memref<2x80xi32, #tpu.memory_space<vmem>>, vector<1x16xi32>,
      %swap3A_371 = vector.shape_cast %swap3A_370 : vector<1x16xi32> to vector<16xi32>
      %swap3A_372 = vector.shape_cast %shift_right_logical3A_366 : vector<16xi32> to vector<1x16xi32>
      tpu.vector_store %arg12[%swap3A_368, %swap3A_369], %swap3A_372 {strides = array<i32>} : memref<2x80xi32, #tpu.memory_space<vmem>>, vector<1x16xi32>,
      %get3A_373 = arith.index_cast %add3A_293 : i32 to index
      %get3A_374 = arith.constant 48 : index
      %get3A_375 = tpu.vector_load %arg10[%get3A_373, %get3A_374] {strides = array<i32>} : memref<125x80xi32, #tpu.memory_space<vmem>>, vector<1x16xi32>,
      %get3A_376 = vector.shape_cast %get3A_375 : vector<1x16xi32> to vector<16xi32>
      %and3A_377 = arith.constant 65535 : i32
      %and3A_378 = vector.broadcast %and3A_377 : i32 to vector<16xi32>
      %and3A_379 = arith.andi %get3A_376, %and3A_378 : vector<16xi32>
      %swap3A_380 = arith.constant 0 : i32
      %swap3A_381 = arith.index_cast %swap3A_380 : i32 to index
      %swap3A_382 = arith.constant 48 : index
      %swap3A_383 = tpu.vector_load %arg11[%swap3A_381, %swap3A_382] {strides = array<i32>} : memref<2x80xi32, #tpu.memory_space<vmem>>, vector<1x16xi32>,
      %swap3A_384 = vector.shape_cast %swap3A_383 : vector<1x16xi32> to vector<16xi32>
      %swap3A_385 = vector.shape_cast %and3A_379 : vector<16xi32> to vector<1x16xi32>
      tpu.vector_store %arg11[%swap3A_381, %swap3A_382], %swap3A_385 {strides = array<i32>} : memref<2x80xi32, #tpu.memory_space<vmem>>, vector<1x16xi32>,
      %shift_right_logical3A_386 = arith.constant 16 : i32
      %shift_right_logical3A_387 = vector.broadcast %shift_right_logical3A_386 : i32 to vector<16xi32>
      %shift_right_logical3A_388 = arith.shrui %get3A_376, %shift_right_logical3A_387 : vector<16xi32>
      %swap3A_389 = arith.constant 0 : i32
      %swap3A_390 = arith.index_cast %swap3A_389 : i32 to index
      %swap3A_391 = arith.constant 48 : index
      %swap3A_392 = tpu.vector_load %arg12[%swap3A_390, %swap3A_391] {strides = array<i32>} : memref<2x80xi32, #tpu.memory_space<vmem>>, vector<1x16xi32>,
      %swap3A_393 = vector.shape_cast %swap3A_392 : vector<1x16xi32> to vector<16xi32>
      %swap3A_394 = vector.shape_cast %shift_right_logical3A_388 : vector<16xi32> to vector<1x16xi32>
      tpu.vector_store %arg12[%swap3A_390, %swap3A_391], %swap3A_394 {strides = array<i32>} : memref<2x80xi32, #tpu.memory_space<vmem>>, vector<1x16xi32>,
      %get3A_395 = arith.index_cast %add3A_293 : i32 to index
      %get3A_396 = arith.constant 64 : index
      %get3A_397 = tpu.vector_load %arg10[%get3A_395, %get3A_396] {strides = array<i32>} : memref<125x80xi32, #tpu.memory_space<vmem>>, vector<1x16xi32>,
      %get3A_398 = vector.shape_cast %get3A_397 : vector<1x16xi32> to vector<16xi32>
      %and3A_399 = arith.constant 65535 : i32
      %and3A_400 = vector.broadcast %and3A_399 : i32 to vector<16xi32>
      %and3A_401 = arith.andi %get3A_398, %and3A_400 : vector<16xi32>
      %swap3A_402 = arith.constant 0 : i32
      %swap3A_403 = arith.index_cast %swap3A_402 : i32 to index
      %swap3A_404 = arith.constant 64 : index
      %swap3A_405 = tpu.vector_load %arg11[%swap3A_403, %swap3A_404] {strides = array<i32>} : memref<2x80xi32, #tpu.memory_space<vmem>>, vector<1x16xi32>,
      %swap3A_406 = vector.shape_cast %swap3A_405 : vector<1x16xi32> to vector<16xi32>
      %swap3A_407 = vector.shape_cast %and3A_401 : vector<16xi32> to vector<1x16xi32>
      tpu.vector_store %arg11[%swap3A_403, %swap3A_404], %swap3A_407 {strides = array<i32>} : memref<2x80xi32, #tpu.memory_space<vmem>>, vector<1x16xi32>,
      %shift_right_logical3A_408 = arith.constant 16 : i32
      %shift_right_logical3A_409 = vector.broadcast %shift_right_logical3A_408 : i32 to vector<16xi32>
      %shift_right_logical3A_410 = arith.shrui %get3A_398, %shift_right_logical3A_409 : vector<16xi32>
      %swap3A_411 = arith.constant 0 : i32
      %swap3A_412 = arith.index_cast %swap3A_411 : i32 to index
      %swap3A_413 = arith.constant 64 : index
      %swap3A_414 = tpu.vector_load %arg12[%swap3A_412, %swap3A_413] {strides = array<i32>} : memref<2x80xi32, #tpu.memory_space<vmem>>, vector<1x16xi32>,
      %swap3A_415 = vector.shape_cast %swap3A_414 : vector<1x16xi32> to vector<16xi32>
      %swap3A_416 = vector.shape_cast %shift_right_logical3A_410 : vector<16xi32> to vector<1x16xi32>
      tpu.vector_store %arg12[%swap3A_412, %swap3A_413], %swap3A_416 {strides = array<i32>} : memref<2x80xi32, #tpu.memory_space<vmem>>, vector<1x16xi32>,
      %dma_start3A_417 = arith.constant 0 : i32
      %dma_start3A_418 = arith.constant 0 : i32
      %dma_start3A_419 = tpu.memref_slice %arg11[%dma_start3A_417, %dma_start3A_418] : memref<2x80xi32, #tpu.memory_space<vmem>> -> memref<1x80xi32, #tpu.memory_space<vmem>>
      %dma_start3A_420 = tpu.memref_squeeze %dma_start3A_419 : memref<1x80xi32, #tpu.memory_space<vmem>> -> memref<80xi32, #tpu.memory_space<vmem>>
      %dma_start3A_421 = arith.constant 0 : i32
      %dma_start3A_422 = arith.constant 0 : i32
      %dma_start3A_423 = tpu.memref_slice %arg3[%dma_start3A_421, %dma_start3A_422] : memref<10000x128xf32, #tpu.memory_space<hbm>> -> memref<10000x128xf32, #tpu.memory_space<hbm>>
      tpu.enqueue_indirect_dma source(%dma_start3A_423 : memref<10000x128xf32, #tpu.memory_space<hbm>>) target(%arg13 : memref<80x128xf32, #tpu.memory_space<vmem>>) offsets(%dma_start3A_420 : memref<80xi32, #tpu.memory_space<vmem>>) semaphore(%arg20 : memref<!tpu.dma_semaphore, #tpu.memory_space<semaphore_mem>>)
      %dma_wait3A_424 = arith.constant 1 : i32
      %dma_wait3A_425 = arith.constant 0 : i32
      %dma_wait3A_426 = tpu.memref_slice %arg11[%dma_wait3A_424, %dma_wait3A_425] : memref<2x80xi32, #tpu.memory_space<vmem>> -> memref<1x80xi32, #tpu.memory_space<vmem>>
      %dma_wait3A_427 = tpu.memref_squeeze %dma_wait3A_426 : memref<1x80xi32, #tpu.memory_space<vmem>> -> memref<80xi32, #tpu.memory_space<vmem>>
      %dma_wait3A_428 = arith.constant 0 : i32
      %dma_wait3A_429 = arith.constant 0 : i32
      %dma_wait3A_430 = tpu.memref_slice %arg3[%dma_wait3A_428, %dma_wait3A_429] : memref<10000x128xf32, #tpu.memory_space<hbm>> -> memref<10000x128xf32, #tpu.memory_space<hbm>>
      tpu.wait_indirect_dma semaphore(%arg21 : memref<!tpu.dma_semaphore, #tpu.memory_space<semaphore_mem>>) src(%dma_wait3A_430 : memref<10000x128xf32, #tpu.memory_space<hbm>>) dst(%arg14 : memref<80x128xf32, #tpu.memory_space<vmem>>)
      %run_scoped3A_431 = arith.constant 1 : i32
      "tpu.region"() ({
        %run_scoped3A_435 = tpu.sem_alloc : memref<!tpu.dma_semaphore, #tpu.memory_space<semaphore_mem>>
        %dma_start3A_436 = arith.constant 0 : i32
        %dma_start3A_437 = tpu.memref_slice %arg12[%run_scoped3A_431, %dma_start3A_436] : memref<2x80xi32, #tpu.memory_space<vmem>> -> memref<1x80xi32, #tpu.memory_space<vmem>>
        %dma_start3A_438 = tpu.memref_squeeze %dma_start3A_437 : memref<1x80xi32, #tpu.memory_space<vmem>> -> memref<80xi32, #tpu.memory_space<vmem>>
        %dma_start3A_439 = arith.constant 0 : i32
        %dma_start3A_440 = arith.constant 0 : i32
        %dma_start3A_441 = tpu.memref_slice %arg18[%dma_start3A_439, %dma_start3A_440] : memref<10000x128xf32, #tpu.memory_space<vmem_shared>> -> memref<10000x128xf32, #tpu.memory_space<vmem_shared>>
        tpu.enqueue_indirect_dma source(%arg14 : memref<80x128xf32, #tpu.memory_space<vmem>>) target(%dma_start3A_441 : memref<10000x128xf32, #tpu.memory_space<vmem_shared>>) offsets(%dma_start3A_438 : memref<80xi32, #tpu.memory_space<vmem>>) semaphore(%run_scoped3A_435 : memref<!tpu.dma_semaphore, #tpu.memory_space<semaphore_mem>>) {add = true}
        %dma_wait3A_442 = arith.constant 0 : i32
        %dma_wait3A_443 = tpu.memref_slice %arg12[%run_scoped3A_431, %dma_wait3A_442] : memref<2x80xi32, #tpu.memory_space<vmem>> -> memref<1x80xi32, #tpu.memory_space<vmem>>
        %dma_wait3A_444 = tpu.memref_squeeze %dma_wait3A_443 : memref<1x80xi32, #tpu.memory_space<vmem>> -> memref<80xi32, #tpu.memory_space<vmem>>
        %dma_wait3A_445 = arith.constant 0 : i32
        %dma_wait3A_446 = arith.constant 0 : i32
        %dma_wait3A_447 = tpu.memref_slice %arg18[%dma_wait3A_445, %dma_wait3A_446] : memref<10000x128xf32, #tpu.memory_space<vmem_shared>> -> memref<10000x128xf32, #tpu.memory_space<vmem_shared>>
        tpu.wait_indirect_dma semaphore(%run_scoped3A_435 : memref<!tpu.dma_semaphore, #tpu.memory_space<semaphore_mem>>) src(%arg14 : memref<80x128xf32, #tpu.memory_space<vmem>>) dst(%dma_wait3A_447 : memref<10000x128xf32, #tpu.memory_space<vmem_shared>>)
        tpu.yield
      }) : () -> ()
      %run_scoped3A_432 = arith.constant 1 : i32
      "tpu.region"() ({
        %run_scoped3A_435 = tpu.sem_alloc : memref<!tpu.dma_semaphore, #tpu.memory_space<semaphore_mem>>
        %dma_start3A_436 = arith.constant 0 : i32
        %dma_start3A_437 = tpu.memref_slice %arg12[%run_scoped3A_432, %dma_start3A_436] : memref<2x80xi32, #tpu.memory_space<vmem>> -> memref<1x80xi32, #tpu.memory_space<vmem>>
        %dma_start3A_438 = tpu.memref_squeeze %dma_start3A_437 : memref<1x80xi32, #tpu.memory_space<vmem>> -> memref<80xi32, #tpu.memory_space<vmem>>
        %dma_start3A_439 = arith.constant 0 : i32
        %dma_start3A_440 = arith.constant 0 : i32
        %dma_start3A_441 = tpu.memref_slice %arg19[%dma_start3A_439, %dma_start3A_440] : memref<10000x16xf32, #tpu.memory_space<vmem_shared>> -> memref<10000x16xf32, #tpu.memory_space<vmem_shared>>
        tpu.enqueue_indirect_dma source(%arg15 : memref<80x16xf32, #tpu.memory_space<vmem>>) target(%dma_start3A_441 : memref<10000x16xf32, #tpu.memory_space<vmem_shared>>) offsets(%dma_start3A_438 : memref<80xi32, #tpu.memory_space<vmem>>) semaphore(%run_scoped3A_435 : memref<!tpu.dma_semaphore, #tpu.memory_space<semaphore_mem>>) {add = true}
        %dma_wait3A_442 = arith.constant 0 : i32
        %dma_wait3A_443 = tpu.memref_slice %arg12[%run_scoped3A_432, %dma_wait3A_442] : memref<2x80xi32, #tpu.memory_space<vmem>> -> memref<1x80xi32, #tpu.memory_space<vmem>>
        %dma_wait3A_444 = tpu.memref_squeeze %dma_wait3A_443 : memref<1x80xi32, #tpu.memory_space<vmem>> -> memref<80xi32, #tpu.memory_space<vmem>>
        %dma_wait3A_445 = arith.constant 0 : i32
        %dma_wait3A_446 = arith.constant 0 : i32
        %dma_wait3A_447 = tpu.memref_slice %arg19[%dma_wait3A_445, %dma_wait3A_446] : memref<10000x16xf32, #tpu.memory_space<vmem_shared>> -> memref<10000x16xf32, #tpu.memory_space<vmem_shared>>
        tpu.wait_indirect_dma semaphore(%run_scoped3A_435 : memref<!tpu.dma_semaphore, #tpu.memory_space<semaphore_mem>>) src(%arg15 : memref<80x16xf32, #tpu.memory_space<vmem>>) dst(%dma_wait3A_447 : memref<10000x16xf32, #tpu.memory_space<vmem_shared>>)
        tpu.yield
      }) : () -> ()
      %lt3A = arith.constant 125 : i32
      %lt3A_433 = arith.cmpi slt, %add3A_297, %lt3A : i32
      %convert_element_type3A = arith.extui %lt3A_433 : i1 to i32
      %cond3A = arith.constant 0 : i32
      %cond3A_434 = arith.cmpi ne, %convert_element_type3A, %cond3A : i32
      scf.if %cond3A_434 {
        %get3A_435 = arith.index_cast %add3A_297 : i32 to index
        %get3A_436 = arith.constant 0 : index
        %get3A_437 = tpu.vector_load %arg10[%get3A_435, %get3A_436] {strides = array<i32>} : memref<125x80xi32, #tpu.memory_space<vmem>>, vector<1x16xi32>,
        %get3A_438 = vector.shape_cast %get3A_437 : vector<1x16xi32> to vector<16xi32>
        %and3A_439 = arith.constant 65535 : i32
        %and3A_440 = vector.broadcast %and3A_439 : i32 to vector<16xi32>
        %and3A_441 = arith.andi %get3A_438, %and3A_440 : vector<16xi32>
        %swap3A_442 = arith.constant 1 : i32
        %swap3A_443 = arith.index_cast %swap3A_442 : i32 to index
        %swap3A_444 = arith.constant 0 : index
        %swap3A_445 = tpu.vector_load %arg11[%swap3A_443, %swap3A_444] {strides = array<i32>} : memref<2x80xi32, #tpu.memory_space<vmem>>, vector<1x16xi32>,
        %swap3A_446 = vector.shape_cast %swap3A_445 : vector<1x16xi32> to vector<16xi32>
        %swap3A_447 = vector.shape_cast %and3A_441 : vector<16xi32> to vector<1x16xi32>
        tpu.vector_store %arg11[%swap3A_443, %swap3A_444], %swap3A_447 {strides = array<i32>} : memref<2x80xi32, #tpu.memory_space<vmem>>, vector<1x16xi32>,
        %shift_right_logical3A_448 = arith.constant 16 : i32
        %shift_right_logical3A_449 = vector.broadcast %shift_right_logical3A_448 : i32 to vector<16xi32>
        %shift_right_logical3A_450 = arith.shrui %get3A_438, %shift_right_logical3A_449 : vector<16xi32>
        %swap3A_451 = arith.constant 1 : i32
        %swap3A_452 = arith.index_cast %swap3A_451 : i32 to index
        %swap3A_453 = arith.constant 0 : index
        %swap3A_454 = tpu.vector_load %arg12[%swap3A_452, %swap3A_453] {strides = array<i32>} : memref<2x80xi32, #tpu.memory_space<vmem>>, vector<1x16xi32>,
        %swap3A_455 = vector.shape_cast %swap3A_454 : vector<1x16xi32> to vector<16xi32>
        %swap3A_456 = vector.shape_cast %shift_right_logical3A_450 : vector<16xi32> to vector<1x16xi32>
        tpu.vector_store %arg12[%swap3A_452, %swap3A_453], %swap3A_456 {strides = array<i32>} : memref<2x80xi32, #tpu.memory_space<vmem>>, vector<1x16xi32>,
        %get3A_457 = arith.index_cast %add3A_297 : i32 to index
        %get3A_458 = arith.constant 16 : index
        %get3A_459 = tpu.vector_load %arg10[%get3A_457, %get3A_458] {strides = array<i32>} : memref<125x80xi32, #tpu.memory_space<vmem>>, vector<1x16xi32>,
        %get3A_460 = vector.shape_cast %get3A_459 : vector<1x16xi32> to vector<16xi32>
        %and3A_461 = arith.constant 65535 : i32
        %and3A_462 = vector.broadcast %and3A_461 : i32 to vector<16xi32>
        %and3A_463 = arith.andi %get3A_460, %and3A_462 : vector<16xi32>
        %swap3A_464 = arith.constant 1 : i32
        %swap3A_465 = arith.index_cast %swap3A_464 : i32 to index
        %swap3A_466 = arith.constant 16 : index
        %swap3A_467 = tpu.vector_load %arg11[%swap3A_465, %swap3A_466] {strides = array<i32>} : memref<2x80xi32, #tpu.memory_space<vmem>>, vector<1x16xi32>,
        %swap3A_468 = vector.shape_cast %swap3A_467 : vector<1x16xi32> to vector<16xi32>
        %swap3A_469 = vector.shape_cast %and3A_463 : vector<16xi32> to vector<1x16xi32>
        tpu.vector_store %arg11[%swap3A_465, %swap3A_466], %swap3A_469 {strides = array<i32>} : memref<2x80xi32, #tpu.memory_space<vmem>>, vector<1x16xi32>,
        %shift_right_logical3A_470 = arith.constant 16 : i32
        %shift_right_logical3A_471 = vector.broadcast %shift_right_logical3A_470 : i32 to vector<16xi32>
        %shift_right_logical3A_472 = arith.shrui %get3A_460, %shift_right_logical3A_471 : vector<16xi32>
        %swap3A_473 = arith.constant 1 : i32
        %swap3A_474 = arith.index_cast %swap3A_473 : i32 to index
        %swap3A_475 = arith.constant 16 : index
        %swap3A_476 = tpu.vector_load %arg12[%swap3A_474, %swap3A_475] {strides = array<i32>} : memref<2x80xi32, #tpu.memory_space<vmem>>, vector<1x16xi32>,
        %swap3A_477 = vector.shape_cast %swap3A_476 : vector<1x16xi32> to vector<16xi32>
        %swap3A_478 = vector.shape_cast %shift_right_logical3A_472 : vector<16xi32> to vector<1x16xi32>
        tpu.vector_store %arg12[%swap3A_474, %swap3A_475], %swap3A_478 {strides = array<i32>} : memref<2x80xi32, #tpu.memory_space<vmem>>, vector<1x16xi32>,
        %get3A_479 = arith.index_cast %add3A_297 : i32 to index
        %get3A_480 = arith.constant 32 : index
        %get3A_481 = tpu.vector_load %arg10[%get3A_479, %get3A_480] {strides = array<i32>} : memref<125x80xi32, #tpu.memory_space<vmem>>, vector<1x16xi32>,
        %get3A_482 = vector.shape_cast %get3A_481 : vector<1x16xi32> to vector<16xi32>
        %and3A_483 = arith.constant 65535 : i32
        %and3A_484 = vector.broadcast %and3A_483 : i32 to vector<16xi32>
        %and3A_485 = arith.andi %get3A_482, %and3A_484 : vector<16xi32>
        %swap3A_486 = arith.constant 1 : i32
        %swap3A_487 = arith.index_cast %swap3A_486 : i32 to index
        %swap3A_488 = arith.constant 32 : index
        %swap3A_489 = tpu.vector_load %arg11[%swap3A_487, %swap3A_488] {strides = array<i32>} : memref<2x80xi32, #tpu.memory_space<vmem>>, vector<1x16xi32>,
        %swap3A_490 = vector.shape_cast %swap3A_489 : vector<1x16xi32> to vector<16xi32>
        %swap3A_491 = vector.shape_cast %and3A_485 : vector<16xi32> to vector<1x16xi32>
        tpu.vector_store %arg11[%swap3A_487, %swap3A_488], %swap3A_491 {strides = array<i32>} : memref<2x80xi32, #tpu.memory_space<vmem>>, vector<1x16xi32>,
        %shift_right_logical3A_492 = arith.constant 16 : i32
        %shift_right_logical3A_493 = vector.broadcast %shift_right_logical3A_492 : i32 to vector<16xi32>
        %shift_right_logical3A_494 = arith.shrui %get3A_482, %shift_right_logical3A_493 : vector<16xi32>
        %swap3A_495 = arith.constant 1 : i32
        %swap3A_496 = arith.index_cast %swap3A_495 : i32 to index
        %swap3A_497 = arith.constant 32 : index
        %swap3A_498 = tpu.vector_load %arg12[%swap3A_496, %swap3A_497] {strides = array<i32>} : memref<2x80xi32, #tpu.memory_space<vmem>>, vector<1x16xi32>,
        %swap3A_499 = vector.shape_cast %swap3A_498 : vector<1x16xi32> to vector<16xi32>
        %swap3A_500 = vector.shape_cast %shift_right_logical3A_494 : vector<16xi32> to vector<1x16xi32>
        tpu.vector_store %arg12[%swap3A_496, %swap3A_497], %swap3A_500 {strides = array<i32>} : memref<2x80xi32, #tpu.memory_space<vmem>>, vector<1x16xi32>,
        %get3A_501 = arith.index_cast %add3A_297 : i32 to index
        %get3A_502 = arith.constant 48 : index
        %get3A_503 = tpu.vector_load %arg10[%get3A_501, %get3A_502] {strides = array<i32>} : memref<125x80xi32, #tpu.memory_space<vmem>>, vector<1x16xi32>,
        %get3A_504 = vector.shape_cast %get3A_503 : vector<1x16xi32> to vector<16xi32>
        %and3A_505 = arith.constant 65535 : i32
        %and3A_506 = vector.broadcast %and3A_505 : i32 to vector<16xi32>
        %and3A_507 = arith.andi %get3A_504, %and3A_506 : vector<16xi32>
        %swap3A_508 = arith.constant 1 : i32
        %swap3A_509 = arith.index_cast %swap3A_508 : i32 to index
        %swap3A_510 = arith.constant 48 : index
        %swap3A_511 = tpu.vector_load %arg11[%swap3A_509, %swap3A_510] {strides = array<i32>} : memref<2x80xi32, #tpu.memory_space<vmem>>, vector<1x16xi32>,
        %swap3A_512 = vector.shape_cast %swap3A_511 : vector<1x16xi32> to vector<16xi32>
        %swap3A_513 = vector.shape_cast %and3A_507 : vector<16xi32> to vector<1x16xi32>
        tpu.vector_store %arg11[%swap3A_509, %swap3A_510], %swap3A_513 {strides = array<i32>} : memref<2x80xi32, #tpu.memory_space<vmem>>, vector<1x16xi32>,
        %shift_right_logical3A_514 = arith.constant 16 : i32
        %shift_right_logical3A_515 = vector.broadcast %shift_right_logical3A_514 : i32 to vector<16xi32>
        %shift_right_logical3A_516 = arith.shrui %get3A_504, %shift_right_logical3A_515 : vector<16xi32>
        %swap3A_517 = arith.constant 1 : i32
        %swap3A_518 = arith.index_cast %swap3A_517 : i32 to index
        %swap3A_519 = arith.constant 48 : index
        %swap3A_520 = tpu.vector_load %arg12[%swap3A_518, %swap3A_519] {strides = array<i32>} : memref<2x80xi32, #tpu.memory_space<vmem>>, vector<1x16xi32>,
        %swap3A_521 = vector.shape_cast %swap3A_520 : vector<1x16xi32> to vector<16xi32>
        %swap3A_522 = vector.shape_cast %shift_right_logical3A_516 : vector<16xi32> to vector<1x16xi32>
        tpu.vector_store %arg12[%swap3A_518, %swap3A_519], %swap3A_522 {strides = array<i32>} : memref<2x80xi32, #tpu.memory_space<vmem>>, vector<1x16xi32>,
        %get3A_523 = arith.index_cast %add3A_297 : i32 to index
        %get3A_524 = arith.constant 64 : index
        %get3A_525 = tpu.vector_load %arg10[%get3A_523, %get3A_524] {strides = array<i32>} : memref<125x80xi32, #tpu.memory_space<vmem>>, vector<1x16xi32>,
        %get3A_526 = vector.shape_cast %get3A_525 : vector<1x16xi32> to vector<16xi32>
        %and3A_527 = arith.constant 65535 : i32
        %and3A_528 = vector.broadcast %and3A_527 : i32 to vector<16xi32>
        %and3A_529 = arith.andi %get3A_526, %and3A_528 : vector<16xi32>
        %swap3A_530 = arith.constant 1 : i32
        %swap3A_531 = arith.index_cast %swap3A_530 : i32 to index
        %swap3A_532 = arith.constant 64 : index
        %swap3A_533 = tpu.vector_load %arg11[%swap3A_531, %swap3A_532] {strides = array<i32>} : memref<2x80xi32, #tpu.memory_space<vmem>>, vector<1x16xi32>,
        %swap3A_534 = vector.shape_cast %swap3A_533 : vector<1x16xi32> to vector<16xi32>
        %swap3A_535 = vector.shape_cast %and3A_529 : vector<16xi32> to vector<1x16xi32>
        tpu.vector_store %arg11[%swap3A_531, %swap3A_532], %swap3A_535 {strides = array<i32>} : memref<2x80xi32, #tpu.memory_space<vmem>>, vector<1x16xi32>,
        %shift_right_logical3A_536 = arith.constant 16 : i32
        %shift_right_logical3A_537 = vector.broadcast %shift_right_logical3A_536 : i32 to vector<16xi32>
        %shift_right_logical3A_538 = arith.shrui %get3A_526, %shift_right_logical3A_537 : vector<16xi32>
        %swap3A_539 = arith.constant 1 : i32
        %swap3A_540 = arith.index_cast %swap3A_539 : i32 to index
        %swap3A_541 = arith.constant 64 : index
        %swap3A_542 = tpu.vector_load %arg12[%swap3A_540, %swap3A_541] {strides = array<i32>} : memref<2x80xi32, #tpu.memory_space<vmem>>, vector<1x16xi32>,
        %swap3A_543 = vector.shape_cast %swap3A_542 : vector<1x16xi32> to vector<16xi32>
        %swap3A_544 = vector.shape_cast %shift_right_logical3A_538 : vector<16xi32> to vector<1x16xi32>
        tpu.vector_store %arg12[%swap3A_540, %swap3A_541], %swap3A_544 {strides = array<i32>} : memref<2x80xi32, #tpu.memory_space<vmem>>, vector<1x16xi32>,
        %dma_start3A_545 = arith.constant 1 : i32
        %dma_start3A_546 = arith.constant 0 : i32
        %dma_start3A_547 = tpu.memref_slice %arg11[%dma_start3A_545, %dma_start3A_546] : memref<2x80xi32, #tpu.memory_space<vmem>> -> memref<1x80xi32, #tpu.memory_space<vmem>>
        %dma_start3A_548 = tpu.memref_squeeze %dma_start3A_547 : memref<1x80xi32, #tpu.memory_space<vmem>> -> memref<80xi32, #tpu.memory_space<vmem>>
        %dma_start3A_549 = arith.constant 0 : i32
        %dma_start3A_550 = arith.constant 0 : i32
        %dma_start3A_551 = tpu.memref_slice %arg3[%dma_start3A_549, %dma_start3A_550] : memref<10000x128xf32, #tpu.memory_space<hbm>> -> memref<10000x128xf32, #tpu.memory_space<hbm>>
        tpu.enqueue_indirect_dma source(%dma_start3A_551 : memref<10000x128xf32, #tpu.memory_space<hbm>>) target(%arg14 : memref<80x128xf32, #tpu.memory_space<vmem>>) offsets(%dma_start3A_548 : memref<80xi32, #tpu.memory_space<vmem>>) semaphore(%arg21 : memref<!tpu.dma_semaphore, #tpu.memory_space<semaphore_mem>>)
      } else {
      }
    }
    %scan3A_275 = arith.constant 62 : i32
    %dma_wait3A = arith.constant 0 : i32
    %dma_wait3A_276 = arith.constant 0 : i32
    %dma_wait3A_277 = tpu.memref_slice %arg11[%dma_wait3A, %dma_wait3A_276] : memref<2x80xi32, #tpu.memory_space<vmem>> -> memref<1x80xi32, #tpu.memory_space<vmem>>
    %dma_wait3A_278 = tpu.memref_squeeze %dma_wait3A_277 : memref<1x80xi32, #tpu.memory_space<vmem>> -> memref<80xi32, #tpu.memory_space<vmem>>
    %dma_wait3A_279 = arith.constant 0 : i32
    %dma_wait3A_280 = arith.constant 0 : i32
    %dma_wait3A_281 = tpu.memref_slice %arg3[%dma_wait3A_279, %dma_wait3A_280] : memref<10000x128xf32, #tpu.memory_space<hbm>> -> memref<10000x128xf32, #tpu.memory_space<hbm>>
    tpu.wait_indirect_dma semaphore(%arg20 : memref<!tpu.dma_semaphore, #tpu.memory_space<semaphore_mem>>) src(%dma_wait3A_281 : memref<10000x128xf32, #tpu.memory_space<hbm>>) dst(%arg13 : memref<80x128xf32, #tpu.memory_space<vmem>>)
    %run_scoped3A_282 = arith.constant 0 : i32
    "tpu.region"() ({
      %run_scoped3A_289 = tpu.sem_alloc : memref<!tpu.dma_semaphore, #tpu.memory_space<semaphore_mem>>
      %dma_start3A_290 = arith.constant 0 : i32
      %dma_start3A_291 = tpu.memref_slice %arg12[%run_scoped3A_282, %dma_start3A_290] : memref<2x80xi32, #tpu.memory_space<vmem>> -> memref<1x80xi32, #tpu.memory_space<vmem>>
      %dma_start3A_292 = tpu.memref_squeeze %dma_start3A_291 : memref<1x80xi32, #tpu.memory_space<vmem>> -> memref<80xi32, #tpu.memory_space<vmem>>
      %dma_start3A_293 = arith.constant 0 : i32
      %dma_start3A_294 = arith.constant 0 : i32
      %dma_start3A_295 = tpu.memref_slice %arg18[%dma_start3A_293, %dma_start3A_294] : memref<10000x128xf32, #tpu.memory_space<vmem_shared>> -> memref<10000x128xf32, #tpu.memory_space<vmem_shared>>
      tpu.enqueue_indirect_dma source(%arg13 : memref<80x128xf32, #tpu.memory_space<vmem>>) target(%dma_start3A_295 : memref<10000x128xf32, #tpu.memory_space<vmem_shared>>) offsets(%dma_start3A_292 : memref<80xi32, #tpu.memory_space<vmem>>) semaphore(%run_scoped3A_289 : memref<!tpu.dma_semaphore, #tpu.memory_space<semaphore_mem>>) {add = true}
      %dma_wait3A_296 = arith.constant 0 : i32
      %dma_wait3A_297 = tpu.memref_slice %arg12[%run_scoped3A_282, %dma_wait3A_296] : memref<2x80xi32, #tpu.memory_space<vmem>> -> memref<1x80xi32, #tpu.memory_space<vmem>>
      %dma_wait3A_298 = tpu.memref_squeeze %dma_wait3A_297 : memref<1x80xi32, #tpu.memory_space<vmem>> -> memref<80xi32, #tpu.memory_space<vmem>>
      %dma_wait3A_299 = arith.constant 0 : i32
      %dma_wait3A_300 = arith.constant 0 : i32
      %dma_wait3A_301 = tpu.memref_slice %arg18[%dma_wait3A_299, %dma_wait3A_300] : memref<10000x128xf32, #tpu.memory_space<vmem_shared>> -> memref<10000x128xf32, #tpu.memory_space<vmem_shared>>
      tpu.wait_indirect_dma semaphore(%run_scoped3A_289 : memref<!tpu.dma_semaphore, #tpu.memory_space<semaphore_mem>>) src(%arg13 : memref<80x128xf32, #tpu.memory_space<vmem>>) dst(%dma_wait3A_301 : memref<10000x128xf32, #tpu.memory_space<vmem_shared>>)
      tpu.yield
    }) : () -> ()
    %run_scoped3A_283 = arith.constant 0 : i32
    "tpu.region"() ({
      %run_scoped3A_289 = tpu.sem_alloc : memref<!tpu.dma_semaphore, #tpu.memory_space<semaphore_mem>>
      %dma_start3A_290 = arith.constant 0 : i32
      %dma_start3A_291 = tpu.memref_slice %arg12[%run_scoped3A_283, %dma_start3A_290] : memref<2x80xi32, #tpu.memory_space<vmem>> -> memref<1x80xi32, #tpu.memory_space<vmem>>
      %dma_start3A_292 = tpu.memref_squeeze %dma_start3A_291 : memref<1x80xi32, #tpu.memory_space<vmem>> -> memref<80xi32, #tpu.memory_space<vmem>>
      %dma_start3A_293 = arith.constant 0 : i32
      %dma_start3A_294 = arith.constant 0 : i32
      %dma_start3A_295 = tpu.memref_slice %arg19[%dma_start3A_293, %dma_start3A_294] : memref<10000x16xf32, #tpu.memory_space<vmem_shared>> -> memref<10000x16xf32, #tpu.memory_space<vmem_shared>>
      tpu.enqueue_indirect_dma source(%arg15 : memref<80x16xf32, #tpu.memory_space<vmem>>) target(%dma_start3A_295 : memref<10000x16xf32, #tpu.memory_space<vmem_shared>>) offsets(%dma_start3A_292 : memref<80xi32, #tpu.memory_space<vmem>>) semaphore(%run_scoped3A_289 : memref<!tpu.dma_semaphore, #tpu.memory_space<semaphore_mem>>) {add = true}
      %dma_wait3A_296 = arith.constant 0 : i32
      %dma_wait3A_297 = tpu.memref_slice %arg12[%run_scoped3A_283, %dma_wait3A_296] : memref<2x80xi32, #tpu.memory_space<vmem>> -> memref<1x80xi32, #tpu.memory_space<vmem>>
      %dma_wait3A_298 = tpu.memref_squeeze %dma_wait3A_297 : memref<1x80xi32, #tpu.memory_space<vmem>> -> memref<80xi32, #tpu.memory_space<vmem>>
      %dma_wait3A_299 = arith.constant 0 : i32
      %dma_wait3A_300 = arith.constant 0 : i32
      %dma_wait3A_301 = tpu.memref_slice %arg19[%dma_wait3A_299, %dma_wait3A_300] : memref<10000x16xf32, #tpu.memory_space<vmem_shared>> -> memref<10000x16xf32, #tpu.memory_space<vmem_shared>>
      tpu.wait_indirect_dma semaphore(%run_scoped3A_289 : memref<!tpu.dma_semaphore, #tpu.memory_space<semaphore_mem>>) src(%arg15 : memref<80x16xf32, #tpu.memory_space<vmem>>) dst(%dma_wait3A_301 : memref<10000x16xf32, #tpu.memory_space<vmem_shared>>)
      tpu.yield
    }) : () -> ()
    %run_scoped3A_284 = arith.constant 0 : i32
    "tpu.region"() ({
      %run_scoped3A_289 = tpu.sem_alloc : memref<!tpu.dma_semaphore, #tpu.memory_space<semaphore_mem>>
      %dma_start3A_290 = arith.constant 0 : i32
      %dma_start3A_291 = tpu.memref_slice %arg16[%run_scoped3A_284, %dma_start3A_290] : memref<1x64xi32, #tpu.memory_space<vmem>> -> memref<1x64xi32, #tpu.memory_space<vmem>>
      %dma_start3A_292 = tpu.memref_squeeze %dma_start3A_291 : memref<1x64xi32, #tpu.memory_space<vmem>> -> memref<64xi32, #tpu.memory_space<vmem>>
      %dma_start3A_293 = arith.constant 0 : i32
      %dma_start3A_294 = arith.constant 0 : i32
      %dma_start3A_295 = tpu.memref_slice %arg19[%dma_start3A_293, %dma_start3A_294] : memref<10000x16xf32, #tpu.memory_space<vmem_shared>> -> memref<10000x16xf32, #tpu.memory_space<vmem_shared>>
      tpu.enqueue_indirect_dma source(%arg17 : memref<64x16xf32, #tpu.memory_space<vmem>>) target(%dma_start3A_295 : memref<10000x16xf32, #tpu.memory_space<vmem_shared>>) offsets(%dma_start3A_292 : memref<64xi32, #tpu.memory_space<vmem>>) semaphore(%run_scoped3A_289 : memref<!tpu.dma_semaphore, #tpu.memory_space<semaphore_mem>>) {add = true}
      %dma_wait3A_296 = arith.constant 0 : i32
      %dma_wait3A_297 = tpu.memref_slice %arg16[%run_scoped3A_284, %dma_wait3A_296] : memref<1x64xi32, #tpu.memory_space<vmem>> -> memref<1x64xi32, #tpu.memory_space<vmem>>
      %dma_wait3A_298 = tpu.memref_squeeze %dma_wait3A_297 : memref<1x64xi32, #tpu.memory_space<vmem>> -> memref<64xi32, #tpu.memory_space<vmem>>
      %dma_wait3A_299 = arith.constant 0 : i32
      %dma_wait3A_300 = arith.constant 0 : i32
      %dma_wait3A_301 = tpu.memref_slice %arg19[%dma_wait3A_299, %dma_wait3A_300] : memref<10000x16xf32, #tpu.memory_space<vmem_shared>> -> memref<10000x16xf32, #tpu.memory_space<vmem_shared>>
      tpu.wait_indirect_dma semaphore(%run_scoped3A_289 : memref<!tpu.dma_semaphore, #tpu.memory_space<semaphore_mem>>) src(%arg17 : memref<64x16xf32, #tpu.memory_space<vmem>>) dst(%dma_wait3A_301 : memref<10000x16xf32, #tpu.memory_space<vmem_shared>>)
      tpu.yield
    }) : () -> ()
    %barrier3A_285 = arith.constant 0 : index
    tpu.barrier barrier_id(%barrier3A_285)
    %mul3A_286 = arith.constant 10000 : i32
    %mul3A_287 = arith.muli %arg0, %mul3A_286 : i32
    %add3A_288 = arith.addi %mul3A_287, %mul3A_2 : i32
    "tpu.region"() ({
      %run_scoped3A_289 = tpu.sem_alloc : memref<!tpu.dma_semaphore, #tpu.memory_space<semaphore_mem>>
      %dma_start3A_290 = arith.constant 0 : i32
      %dma_start3A_291 = tpu.memref_slice %arg8[%add3A_288, %dma_start3A_290] : memref<20000x128xf32, #tpu.memory_space<hbm>> -> memref<625x128xf32, #tpu.memory_space<hbm>>
      %dma_start3A_292 = arith.constant 0 : i32
      %dma_start3A_293 = tpu.memref_slice %arg18[%mul3A_2, %dma_start3A_292] : memref<10000x128xf32, #tpu.memory_space<vmem_shared>> -> memref<625x128xf32, #tpu.memory_space<vmem_shared>>
      tpu.enqueue_dma source(%dma_start3A_293 : memref<625x128xf32, #tpu.memory_space<vmem_shared>>) target(%dma_start3A_291 : memref<625x128xf32, #tpu.memory_space<hbm>>) target_semaphore(%run_scoped3A_289 : memref<!tpu.dma_semaphore, #tpu.memory_space<semaphore_mem>>)
      %dma_wait3A_294 = arith.constant 0 : i32
      %dma_wait3A_295 = tpu.memref_slice %arg8[%add3A_288, %dma_wait3A_294] : memref<20000x128xf32, #tpu.memory_space<hbm>> -> memref<625x128xf32, #tpu.memory_space<hbm>>
      %dma_wait3A_296 = arith.constant 0 : i32
      %dma_wait3A_297 = tpu.memref_slice %arg18[%mul3A_2, %dma_wait3A_296] : memref<10000x128xf32, #tpu.memory_space<vmem_shared>> -> memref<625x128xf32, #tpu.memory_space<vmem_shared>>
      tpu.wait_dma2 semaphore(%run_scoped3A_289 : memref<!tpu.dma_semaphore, #tpu.memory_space<semaphore_mem>>) src(%dma_wait3A_297 : memref<625x128xf32, #tpu.memory_space<vmem_shared>>) dst(%dma_wait3A_295 : memref<625x128xf32, #tpu.memory_space<hbm>>)
      tpu.yield
    }) : () -> ()
    "tpu.region"() ({
      %run_scoped3A_289 = tpu.sem_alloc : memref<!tpu.dma_semaphore, #tpu.memory_space<semaphore_mem>>
      %dma_start3A_290 = arith.constant 0 : i32
      %dma_start3A_291 = tpu.memref_slice %arg9[%add3A_288, %dma_start3A_290] : memref<20000x16xf32, #tpu.memory_space<hbm>> -> memref<625x16xf32, #tpu.memory_space<hbm>>
      %dma_start3A_292 = arith.constant 0 : i32
      %dma_start3A_293 = tpu.memref_slice %arg19[%mul3A_2, %dma_start3A_292] : memref<10000x16xf32, #tpu.memory_space<vmem_shared>> -> memref<625x16xf32, #tpu.memory_space<vmem_shared>>
      tpu.enqueue_dma source(%dma_start3A_293 : memref<625x16xf32, #tpu.memory_space<vmem_shared>>) target(%dma_start3A_291 : memref<625x16xf32, #tpu.memory_space<hbm>>) target_semaphore(%run_scoped3A_289 : memref<!tpu.dma_semaphore, #tpu.memory_space<semaphore_mem>>)
      %dma_wait3A_294 = arith.constant 0 : i32
      %dma_wait3A_295 = tpu.memref_slice %arg9[%add3A_288, %dma_wait3A_294] : memref<20000x16xf32, #tpu.memory_space<hbm>> -> memref<625x16xf32, #tpu.memory_space<hbm>>
      %dma_wait3A_296 = arith.constant 0 : i32
      %dma_wait3A_297 = tpu.memref_slice %arg19[%mul3A_2, %dma_wait3A_296] : memref<10000x16xf32, #tpu.memory_space<vmem_shared>> -> memref<625x16xf32, #tpu.memory_space<vmem_shared>>
      tpu.wait_dma2 semaphore(%run_scoped3A_289 : memref<!tpu.dma_semaphore, #tpu.memory_space<semaphore_mem>>) src(%dma_wait3A_297 : memref<625x16xf32, #tpu.memory_space<vmem_shared>>) dst(%dma_wait3A_295 : memref<625x16xf32, #tpu.memory_space<hbm>>)
      tpu.yield
    }) : () -> ()
    return
  }
}

module attributes {stable_mosaic.version = 14 : i64} {
  func.func @_tc_body(%arg0: memref<20000x128xf32, #tpu.memory_space<vmem>>, %arg1: memref<20000x16xf32, #tpu.memory_space<vmem>>, %arg2: memref<128x128xf32, #tpu.memory_space<vmem>>, %arg3: memref<4x128xf32, #tpu.memory_space<vmem>>, %arg4: memref<4x128x128xf32, #tpu.memory_space<vmem>>, %arg5: memref<128x64xf32, #tpu.memory_space<vmem>>, %arg6: memref<10000x64xf32, #tpu.memory_space<vmem>>) attributes {dimension_semantics = [], scalar_prefetch = 0 : i64, scratch_operands = 0 : i64, tpu.core_type = #tpu.core_type<tc>} {
    %get3A = arith.constant 0 : index
    %get3A_0 = arith.constant 0 : index
    %get3A_1 = vector.load %arg0[%get3A, %get3A_0] : memref<20000x128xf32, #tpu.memory_space<vmem>>, vector<20000x128xf32>
    %get3A_2 = arith.constant 0 : index
    %get3A_3 = arith.constant 0 : index
    %get3A_4 = vector.load %arg1[%get3A_2, %get3A_3] : memref<20000x16xf32, #tpu.memory_space<vmem>>, vector<20000x16xf32>
    %slice3A = vector.extract_strided_slice %get3A_1 {offsets = [0, 0], sizes = [10000, 128], strides = [1, 1]} : vector<20000x128xf32> to vector<10000x128xf32>
    %slice3A_5 = vector.extract_strided_slice %get3A_1 {offsets = [10000, 0], sizes = [10000, 128], strides = [1, 1]} : vector<20000x128xf32> to vector<10000x128xf32>
    %add3A = arith.addf %slice3A, %slice3A_5 : vector<10000x128xf32>
    %slice3A_6 = vector.extract_strided_slice %get3A_4 {offsets = [0, 0], sizes = [10000, 1], strides = [1, 1]} : vector<20000x16xf32> to vector<10000x1xf32>
    %slice3A_7 = vector.extract_strided_slice %get3A_4 {offsets = [10000, 0], sizes = [10000, 1], strides = [1, 1]} : vector<20000x16xf32> to vector<10000x1xf32>
    %add3A_8 = arith.addf %slice3A_6, %slice3A_7 : vector<10000x1xf32>
    %max3A = arith.constant 1.000000e+00 : f32
    %max3A_9 = vector.broadcast %max3A : f32 to vector<10000x1xf32>
    %max3A_10 = arith.maximumf %add3A_8, %max3A_9 : vector<10000x1xf32>
    %div3A = vector.broadcast %max3A_10 : vector<10000x1xf32> to vector<10000x128xf32>
    %div3A_11 = arith.divf %add3A, %div3A : vector<10000x128xf32>
    %get3A_12 = arith.constant 0 : index
    %get3A_13 = arith.constant 0 : index
    %get3A_14 = vector.load %arg2[%get3A_12, %get3A_13] : memref<128x128xf32, #tpu.memory_space<vmem>>, vector<128x128xf32>
    %dot_general3A = arith.constant dense<0.000000e+00> : vector<10000x128xf32>
    %dot_general3A_15 = tpu.matmul %div3A_11, %get3A_14, %dot_general3A {dimension_numbers = #tpu.dot_dimension_numbers<[1], [0], [0], [1], [0, 0, 1, 1], [], []>, transpose_lhs_hint = false} : vector<10000x128xf32>, vector<128x128xf32>, vector<10000x128xf32> -> vector<10000x128xf32>
    %max3A_16 = arith.constant 0.000000e+00 : f32
    %max3A_17 = vector.broadcast %max3A_16 : f32 to vector<10000x128xf32>
    %max3A_18 = arith.maximumf %dot_general3A_15, %max3A_17 : vector<10000x128xf32>
    %slice3A_19 = vector.extract_strided_slice %get3A_4 {offsets = [0, 1], sizes = [10000, 1], strides = [1, 1]} : vector<20000x16xf32> to vector<10000x1xf32>
    %slice3A_20 = vector.extract_strided_slice %get3A_4 {offsets = [10000, 1], sizes = [10000, 1], strides = [1, 1]} : vector<20000x16xf32> to vector<10000x1xf32>
    %add3A_21 = arith.addf %slice3A_19, %slice3A_20 : vector<10000x1xf32>
    %mul3A = vector.broadcast %add3A_21 : vector<10000x1xf32> to vector<10000x128xf32>
    %mul3A_22 = arith.mulf %max3A_18, %mul3A : vector<10000x128xf32>
    %reduce_sum3A = arith.constant dense<0.000000e+00> : vector<128xf32>
    %reduce_sum3A_23 = vector.multi_reduction <add>, %mul3A_22, %reduce_sum3A [0] : vector<10000x128xf32> to vector<128xf32>
    %broadcast_in_dim3A = vector.shape_cast %reduce_sum3A_23 : vector<128xf32> to vector<1x128xf32>
    %reduce_sum3A_24 = vector.shape_cast %add3A_21 : vector<10000x1xf32> to vector<1x10000x1xf32>
    %reduce_sum3A_25 = arith.constant dense<0.000000e+00> : vector<1xf32>
    %reduce_sum3A_26 = vector.multi_reduction <add>, %reduce_sum3A_24, %reduce_sum3A_25 [1, 2] : vector<1x10000x1xf32> to vector<1xf32>
    %reduce_sum3A_27 = vector.shape_cast %reduce_sum3A_26 : vector<1xf32> to vector<1x1x1xf32>
    %reduce_sum3A_28 = vector.extract %reduce_sum3A_27[0, 0, 0] : f32 from vector<1x1x1xf32>
    %div3A_29 = vector.broadcast %reduce_sum3A_28 : f32 to vector<1x128xf32>
    %div3A_30 = arith.divf %broadcast_in_dim3A, %div3A_29 : vector<1x128xf32>
    %get3A_31 = arith.constant 0 : index
    %get3A_32 = arith.constant 0 : index
    %get3A_33 = vector.load %arg3[%get3A_31, %get3A_32] : memref<4x128xf32, #tpu.memory_space<vmem>>, vector<4x128xf32>
    %sub3A = vector.broadcast %div3A_30 : vector<1x128xf32> to vector<4x128xf32>
    %sub3A_34 = arith.subf %get3A_33, %sub3A : vector<4x128xf32>
    %mul3A_35 = arith.mulf %sub3A_34, %sub3A_34 : vector<4x128xf32>
    %reduce_sum3A_36 = arith.constant dense<0.000000e+00> : vector<4xf32>
    %reduce_sum3A_37 = vector.multi_reduction <add>, %mul3A_35, %reduce_sum3A_36 [1] : vector<4x128xf32> to vector<4xf32>
    %broadcast_in_dim3A_38 = vector.shape_cast %reduce_sum3A_37 : vector<4xf32> to vector<4x1xf32>
    %reduce_min3A = vector.shape_cast %broadcast_in_dim3A_38 : vector<4x1xf32> to vector<1x4x1xf32>
    %reduce_min3A_39 = arith.constant dense<0x7F800000> : vector<1xf32>
    %reduce_min3A_40 = vector.multi_reduction <minimumf>, %reduce_min3A, %reduce_min3A_39 [1, 2] : vector<1x4x1xf32> to vector<1xf32>
    %reduce_min3A_41 = vector.shape_cast %reduce_min3A_40 : vector<1xf32> to vector<1x1x1xf32>
    %reduce_min3A_42 = vector.extract %reduce_min3A_41[0, 0, 0] : f32 from vector<1x1x1xf32>
    %eq3A = vector.broadcast %reduce_min3A_42 : f32 to vector<4x1xf32>
    %eq3A_43 = arith.cmpf oeq, %broadcast_in_dim3A_38, %eq3A : vector<4x1xf32>
    %convert_element_type3A = arith.extui %eq3A_43 : vector<4x1xi1> to vector<4x1xi32>
    %convert_element_type3A_44 = arith.sitofp %convert_element_type3A : vector<4x1xi32> to vector<4x1xf32>
    %get3A_45 = arith.constant 0 : index
    %get3A_46 = arith.constant 0 : index
    %get3A_47 = arith.constant 0 : index
    %get3A_48 = vector.load %arg4[%get3A_45, %get3A_46, %get3A_47] : memref<4x128x128xf32, #tpu.memory_space<vmem>>, vector<4x128x128xf32>
    %broadcast_in_dim3A_49 = vector.shape_cast %convert_element_type3A_44 : vector<4x1xf32> to vector<4x1x1xf32>
    %mul3A_50 = vector.broadcast %broadcast_in_dim3A_49 : vector<4x1x1xf32> to vector<4x128x128xf32>
    %mul3A_51 = arith.mulf %get3A_48, %mul3A_50 : vector<4x128x128xf32>
    %reduce_sum3A_52 = arith.constant dense<0.000000e+00> : vector<128x128xf32>
    %reduce_sum3A_53 = vector.multi_reduction <add>, %mul3A_51, %reduce_sum3A_52 [0] : vector<4x128x128xf32> to vector<128x128xf32>
    %dot_general3A_54 = arith.constant dense<0.000000e+00> : vector<10000x128xf32>
    %dot_general3A_55 = tpu.matmul %div3A_11, %reduce_sum3A_53, %dot_general3A_54 {dimension_numbers = #tpu.dot_dimension_numbers<[1], [0], [0], [1], [0, 0, 1, 1], [], []>, transpose_lhs_hint = false} : vector<10000x128xf32>, vector<128x128xf32>, vector<10000x128xf32> -> vector<10000x128xf32>
    %max3A_56 = arith.constant 0.000000e+00 : f32
    %max3A_57 = vector.broadcast %max3A_56 : f32 to vector<10000x128xf32>
    %max3A_58 = arith.maximumf %dot_general3A_55, %max3A_57 : vector<10000x128xf32>
    %get3A_59 = arith.constant 0 : index
    %get3A_60 = arith.constant 0 : index
    %get3A_61 = vector.load %arg5[%get3A_59, %get3A_60] : memref<128x64xf32, #tpu.memory_space<vmem>>, vector<128x64xf32>
    %dot_general3A_62 = arith.constant dense<0.000000e+00> : vector<10000x64xf32>
    %dot_general3A_63 = tpu.matmul %max3A_58, %get3A_61, %dot_general3A_62 {dimension_numbers = #tpu.dot_dimension_numbers<[1], [0], [0], [1], [0, 0, 1, 1], [], []>, transpose_lhs_hint = false} : vector<10000x128xf32>, vector<128x64xf32>, vector<10000x64xf32> -> vector<10000x64xf32>
    %swap3A = arith.constant 0 : index
    %swap3A_64 = arith.constant 0 : index
    %swap3A_65 = vector.load %arg6[%swap3A, %swap3A_64] : memref<10000x64xf32, #tpu.memory_space<vmem>>, vector<10000x64xf32>
    tpu.vector_store %arg6[%swap3A, %swap3A_64], %dot_general3A_63 {strides = array<i32>} : memref<10000x64xf32, #tpu.memory_space<vmem>>, vector<10000x64xf32>,
    return
  }
}

</mosaic_0001>

<sc_bundles>
// kernel: kernel.4.cloned.1.call-start
scs
__scs_entry_jumppad:
0x0: {  	(pc) =	sbr.rel $0x88, $3  }
0x1: {  	(tag) =	ssettag $0x0;
	lr =	simm.s32 $0x1  }
0x2: {  	[smem:$0x3F9A] =	sst lr;
	_ =	strace $0xD0000000  }
0x3: {  	_ = 	snop  }
0x4: {  	_ = 	snop  }
0x5: {  	_ = 	snop  }
0x6: {  	_ = 	snop  }
0x7: {  	_ = 	snop  }
__scs_overlays_trampoline_lowered:
0x8: {  	[smem:$0x3FA9] =	sst s0  }
0x9: {  	[smem:$0x3FAA] =	sst s1  }
0xa: {  	[smem:$0x3FAB] =	sst s2  }
0xb: {  	[smem:$0x3FAC] =	sst s3  }
0xc: {  	[smem:$0x3FAD] =	sst s4  }
0xd: {  	[smem:$0x3FAE] =	sst s5  }
0xe: {  	[smem:$0x3FAF] =	sst s6  }
0xf: {  	[smem:$0x3FB0] =	sst s7  }
0x10: {  	[smem:$0x3FB1] =	sst s8  }
0x11: {  	[smem:$0x3FB2] =	sst s9;
	s0 =	simm.s32 @!p0 $0x0  }
0x12: {  	s1 =	sld [smem:$0x3F98];
	s0 =	simm.s32 @p0 $0x1  }
0x13: {  	[smem:$0x3FB3] =	sst s0;
	s0 =	simm.s32 @!p1 $0x0  }
0x14: {  	s2 =	sld [smem:$0x3F97];
	s0 =	simm.s32 @p1 $0x1  }
0x15: {  	[smem:$0x3FB4] =	sst s0;
	s0 =	simm.s32 @!p2 $0x0  }
0x16: {  	s3 =	sld [smem:$0x3FDB];
	s0 =	simm.s32 @p2 $0x1  }
0x17: {  	s4 =	simm.s32 $0x1BF5;
	[smem:$0x3FB6] =	sst s0  }
0x18: {  	s0 =	sld [smem:$0x3F99];
	_ =	swait.ge [sflag:s4], $0x0  }
0x19: {  	s7 =	sld [smem:$0x3F9A]  }
0x1a: {  	s8 =	sadd.s32 $0xFFFFE003, lr  }
0x1b: {  	s9 =	sadd.s32 $0xFFFFFEF7, lr;
	s5 =	simm.s32 $0xFFFFFFFF;
	p2 =	slt.u32 s8, $0xFFFFF086  }
0x1c: {  	p1 =	slt.u32 s9, $0xF7A;
	s5 =	simm.s32 @!p2 $0x0  }
0x1d: {  	s5 =	simm.s32 @p1 $0x1;
	p0 =	seq.s32 s7, s2  }
0x1e: {  	s7 =	smul.u32 @!p0 $0xF7A, s2;
	p2 =	seq.s32 @!p0 s5, $0x0  }
0x1f: {  	s9 =	smul.u32 $0xF7A, s1;
	s8 =	simm.s32 @!p0 $0x1BF5;
	p2 =	por !p2, p0  }
0x20: {  	[sflag:s8] =	ssyncset.s32 @!p0 $0xFFFFF086;
	s6 =	sadd.s32 @!p0 s3, s7;
	s7 =	simm.s32 @!p0 $0x108  }
0x21: {  	s3 =	sadd.s32 s3, s9;
	s6 =	sadd.s32 @!p0 $0x88, s6;
	s7 =	simm.s32 @p2 $0x1082  }
0x22: {  	[simem:s7], [sflag:s8] =	dma.local @!p0 [hbm:s6], $0xF7A  }
0x23: {  	s9 =	sor.u32 $0xD0000000, s2;
	s6 =	simm.s32 $0x108;
	_ =	swait.ge @!p0 [sflag:s8], $0x0  }
0x24: {  	s3 =	sadd.s32 $0x88, s3;
	s6 =	simm.s32 @!p1 $0x1082;
	[sflag:s4] =	ssyncset.s32 $0xFFFFF086  }
0x25: {  	[simem:s6], [sflag:s4] =	dma.local [hbm:s3], $0xF7A  }
0x26: {  	[smem:$0x3F9A] =	sst s1;
	(tag) =	ssettag s2;
	_ =	strace s9  }
0x27: {  	s1 =	sld [smem:$0x3FAA]  }
0x28: {  	s2 =	sld [smem:$0x3FAB]  }
0x29: {  	s4 =	sld [smem:$0x3FAD]  }
0x2a: {  	p0 =	seq.s32 s5, $0x0;
	s5 =	sld [smem:$0x3FAE]  }
0x2b: {  	s6 =	sld [smem:$0x3FAF]  }
0x2c: {  	s7 =	sld [smem:$0x3FB0]  }
0x2d: {  	s3 =	simm.s32 $0x108;
	s8 =	sld [smem:$0x3FB1]  }
0x2e: {  	s3 =	simm.s32 @!p0 $0x1082;
	s9 =	sld [smem:$0x3FB2]  }
0x2f: {  	lr =	sadd.s32 s0, s3;
	s0 =	sld [smem:$0x3FA9]  }
0x30: {  	s3 =	sld [smem:$0x3FAC]  }
0x31: {  	[smem:$0x3FB5] =	sst s10  }
0x32: {  	s10 =	sld [smem:$0x3FB3];
	_ =	sdelay $0x3  }
0x33: {  	p0 =	seq.s32 s10, $0x1;
	s10 =	sld [smem:$0x3FB5];
	_ =	sdelay $0x3  }
0x34: {  	[smem:$0x3FB5] =	sst s10  }
0x35: {  	s10 =	sld [smem:$0x3FB4];
	_ =	sdelay $0x3  }
0x36: {  	p1 =	seq.s32 s10, $0x1;
	s10 =	sld [smem:$0x3FB5];
	_ =	sdelay $0x3  }
0x37: {  	[smem:$0x3FB5] =	sst s10  }
0x38: {  	s10 =	sld [smem:$0x3FB6]  }
0x39: {  	_ = 	snop;
	(pc) =	sbr.ind lr, $3  }
0x3a: {  	_ = 	snop  }
0x3b: {  	_ = 	snop  }
0x3c: {  	p2 =	seq.s32 s10, $0x1;
	s10 =	sld [smem:$0x3FB5]  }
0x3d: {  	_ =	shalt  }
0x3e: {  	_ =	shalt  }
0x3f: {  	_ =	shalt  }
0x40: {  	_ =	shalt  }
0x41: {  	_ =	shalt  }
0x42: {  	_ =	shalt  }
0x43: {  	_ =	shalt  }
0x44: {  	_ =	shalt  }
0x45: {  	_ =	shalt  }
0x46: {  	_ =	shalt  }
0x47: {  	_ =	shalt  }
0x48: {  	_ =	shalt  }
0x49: {  	_ =	shalt  }
0x4a: {  	_ =	shalt  }
0x4b: {  	_ =	shalt  }
0x4c: {  	_ =	shalt  }
0x4d: {  	_ =	shalt  }
0x4e: {  	_ =	shalt  }
0x4f: {  	_ =	shalt  }
0x50: {  	_ =	shalt  }
0x51: {  	_ =	shalt  }
0x52: {  	_ =	shalt  }
0x53: {  	_ =	shalt  }
0x54: {  	_ =	shalt  }
0x55: {  	_ =	shalt  }
0x56: {  	_ =	shalt  }
0x57: {  	_ =	shalt  }
0x58: {  	_ =	shalt  }
0x59: {  	_ =	shalt  }
0x5a: {  	_ =	shalt  }
0x5b: {  	_ =	shalt  }
0x5c: {  	_ =	shalt  }
0x5d: {  	_ =	shalt  }
0x5e: {  	_ =	shalt  }
0x5f: {  	_ =	shalt  }
0x60: {  	_ =	shalt  }
0x61: {  	_ =	shalt  }
0x62: {  	_ =	shalt  }
0x63: {  	_ =	shalt  }
0x64: {  	_ =	shalt  }
0x65: {  	_ =	shalt  }
0x66: {  	_ =	shalt  }
0x67: {  	_ =	shalt  }
0x68: {  	_ =	shalt  }
0x69: {  	_ =	shalt  }
0x6a: {  	_ =	shalt  }
0x6b: {  	_ =	shalt  }
0x6c: {  	_ =	shalt  }
0x6d: {  	_ =	shalt  }
0x6e: {  	_ =	shalt  }
0x6f: {  	_ =	shalt  }
0x70: {  	_ =	shalt  }
0x71: {  	_ =	shalt  }
0x72: {  	_ =	shalt  }
0x73: {  	_ =	shalt  }
0x74: {  	_ =	shalt  }
0x75: {  	_ =	shalt  }
0x76: {  	_ =	shalt  }
0x77: {  	_ =	shalt  }
0x78: {  	_ =	shalt  }
0x79: {  	_ =	shalt  }
0x7a: {  	_ =	shalt  }
0x7b: {  	_ =	shalt  }
0x7c: {  	_ =	shalt  }
0x7d: {  	_ =	shalt  }
0x7e: {  	_ =	shalt  }
0x7f: {  	_ =	shalt  }
0x80: {  	_ =	shalt  }
0x81: {  	_ =	shalt  }
0x82: {  	_ =	shalt  }
0x83: {  	_ =	shalt  }
0x84: {  	_ =	shalt  }
0x85: {  	_ =	shalt  }
0x86: {  	_ =	shalt  }
0x87: {  	_ =	shalt  }
.Lfunc_end0:
.L_simem_size_0:
called_computation_lowered:
.L_overlay_start_0:
0x88: {  	s2 =	sld [smem:$0x3FD9]  }
0x89: {  	s3 =	sld [smem:$0x3FFE];
	_ =	sdelay $0x1  }
0x8a: {  	s1 =	srdreg.scid  }
0x8b: {  	s0 =	sand.u32 $0x1, s1  }
0x8c: {  	s17 =	sshll.u32 s0, $0xA;
	s2 =	sadd.s32 s3, s2  }
0x8d: {  	s2 =	sadd.s32 s2, s17  }
0x8e: {  	[smem:$0x3FC1] =	sst s2  }
0x8f: {  	_ = 	snop  }
0x90: {  	s2 =	sld [smem:$0x3FC9]  }
0x91: {  	s18 =	sld [smem:$0x3FD0];
	(tm) =	ssettm $0x1  }
0x92: {  	s4 =	sld [smem:$0x3FFB];
	_ =	sdelay $0x3  }
0x93: {  	_ =	strace s4  }
0x94: {  	s4 =	sld [smem:$0x3FFC];
	_ =	sdelay $0x3  }
0x95: {  	_ =	strace s4  }
0x96: {  	s4 =	sld [smem:$0x3FFD];
	_ =	sdelay $0x3  }
0x97: {  	_ =	strace s4  }
0x98: {  	_ =	strace $0x8FFFFFFF  }
0x99: {  	s19 =	sld [smem:$0x3FDB];
	_ =	sdelay $0x1  }
0x9a: {  	s5 =	simm.s32 $_scs_section_size  }
0x9b: {  	s6 =	simm.s32 $_size__tile_overlayer_lowered;
	s7 =	simm.s32 $_tile_overlayer_lowered  }
0x9c: {  	s22 =	simm.s32 $0x1BFF;
	s21 =	sshll.u32 s7, $0x1;
	s4 =	sadd.s32 s5, s19  }
0x9d: {  	s8 =	simm.s32 $0x0;
	s20 =	sshll.u32 s6, $0x1;
	s6 =	sadd.s32 s21, s4  }
0x9e: {  	[timem:s8], [sflag:s22] =	dma.local [hbm:s6], s20  }
0x9f: {  	_ =	swait.ge [sflag:s22], s20  }
0xa0: {  	s5 =	ssub.s32 $0x0, s20;
	[sflag:s22] =	ssyncset.done $0x0  }
0xa1: {  	[sflag:s22] =	ssyncadd.s32 s5;
	_ =	sdelay $0x1  }
0xa2: {  	s23 =	simm.s32 $0x1B8B  }
0xa3: {  	_ =	swait.ge [sflag:s23], $0x1  }
0xa4: {  	[sflag:s23] =	ssyncset.done $0x0  }
0xa5: {  	s25 =	simm.s32 $0x1B8E;
	s24 =	sld [smem:$0x3FFE];
	[sflag:s23] =	ssyncadd.s32 $0xFFFFFFFF  }
0xa6: {  	s26 =	simm.s32 $execute0_lowered;
	[smem:$0x3FD2] =	sst s25  }
0xa7: {  	s6 =	sshll.u32 s26, $0x1;
	_ =	strace $0x80000046;
	[dreg:$0x1] =	wrdreg $0xFFFFFFFF  }
0xa8: {  	s28 =	simm.s32 $_size_execute0_lowered;
	s4 =	sadd.s32 s4, s6;
	[dreg:$0x0] =	wrdreg $0x0  }
0xa9: {  	s6 =	sshll.u32 s28, $0x1;
	[dreg:$0x2] =	wrdreg s4  }
0xaa: {  	[dreg:$0x3] =	wrdreg s6  }
0xab: {  	[dreg:$0x4] =	wrdreg $0xC0  }
0xac: {  	_ =	task [dreg:s8], $0x5FFFF  }
0xad: {  	[dreg:$0x1] =	wrdreg $0xFFFFFFFF  }
0xae: {  	[dreg:$0x0] =	wrdreg $0x60  }
0xaf: {  	[dreg:$0x2] =	wrdreg s18  }
0xb0: {  	[dreg:$0x3] =	wrdreg s2  }
0xb1: {  	[dreg:$0x4] =	wrdreg s24  }
0xb2: {  	[dreg:$0x5] =	wrdreg $0x81900  }
0xb3: {  	[dreg:$0x6] =	wrdreg $0x1BA100  }
0xb4: {  	[dreg:$0x7] =	wrdreg $0x9  }
0xb5: {  	_ =	task.clear_ibuf [dreg:s8], $0x8FFFF;
	_ =	strace $0x90000046  }
0xb6: {  	s29 =	simm.s32 $0x9;
	_ =	strace $0x80000048  }
0xb7: {  	_ =	swait.ge [sflag:s29], $0x1  }
0xb8: {  	[sflag:s29] =	ssyncadd.s32 $0xFFFFFFFF  }
0xb9: {  	_ =	strace $0x90000048  }
0xba: {  	_ =	sfence  }
0xbb: {  	s30 =	sld [smem:$0x0];
	_ =	sdelay $0x2  }
0xbc: {  	s31 =	sshll.u32 s1, $0xD;
	s1 =	sshrl.u32 s1, $0x2  }
0xbd: {  	s3 =	sand.u32 $0x4000, s31;
	s1 =	sadd.s32 s1, s30  }
0xbe: {  	s0 =	sor.u32 s3, s0;
	s1 =	sshll.u32 s1, $0x11  }
0xbf: {  	s0 =	sor.u32 s1, s0  }
0xc0: {  	s0 =	sadd.s32 $0x8F2B, s0  }
0xc1: {  	[sflag:s0] =	ssyncadd.remote.s32 $0x1  }
0xc2: {  	_ =	sfence.sel $0xFFFF  }
0xc3: {  	[dreg:$0x0] =	wrdreg $0xFFFFFFFF;
	(pc) =	sbr.abs _section_cstart, $3  }
0xc4: {  	[dreg:$0x1] =	wrdreg $0xFFFFFFFF  }
0xc5: {  	_ =	task.clear_ibuf [dreg:s8], $0x2FFFF;
	_ =	strace $0x9FFFFFFF  }
0xc6: {  	(tm) =	ssettm $0x7FFFFFFF  }
0xc7: {  	_ =	shalt  }
tec
execute0_lowered:
.L_overlay_start_1:
0x0: {  	(tag) =	ssettag $0x1  }
0x1: {  	s0 =	rddreg [dreg:$0x0]  }
0x2: {  	s1 =	rddreg [dreg:$0x1]  }
0x3: {  	s2 =	rddreg [dreg:$0x2]  }
0x4: {  	s3 =	rddreg [dreg:$0x3]  }
0x5: {  	s4 =	rddreg [dreg:$0x4];
	s5 =	simm.s32 $0x0;
	s15 =	stileid.u32  }
0x6: {  	s6 =	srdreg.scid;
	s28 =	simm.s32 $0x7D90;
	s29 =	simm.s32 $0x50  }
0x7: {  	s30 =	simm.s32 $0x2710;
	s31 =	simm.s32 $0x2760;
	s7 =	smul.u32 $0x271, s15  }
0x8: {  	[smem:$0x7FF] =	sst s5;
	s6 =	sand.u32 $0x1, s6;
	s11 =	smul.u32 $0x2710, s15  }
0x9: {  	s8 =	sshll.u32 s15, $0x3;
	s10 =	sshll.u32 s15, $0x7;
	s13 =	smul.u32 $0x4E200, s15  }
0xa: {  	s12 =	sadd.s32 $0x1000, s2;
	_ =	strace $0x80000047;
	s9 =	smul.u32 $0x2710, s6  }
0xb: {  	s8 =	sadd.s32 s8, s2;
	s10 =	sadd.s32 s10, s2;
	[dreg:$0x6] =	wrdreg s12  }
0xc: {  	s14 =	ssub.s32 $0x2, s6;
	s6 =	sshll.u32 s6, $0x4;
	s16 =	sshrl.u32 s11, $0x3  }
0xd: {  	s18 =	sshrl.u32 s13, $0x2;
	s19 =	sshrl.u32 s14, $0x1;
	s6 =	sor.u32 s15, s6  }
0xe: {  	s15 =	sadd.s32 s11, s4;
	s7 =	sadd.s32 s7, s9;
	s9 =	sadd.s32 s16, s2  }
0xf: {  	s13 =	ssub.s32 s14, s19;
	s6 =	smul.u32 $0x4E2, s6;
	s19 =	sadd.s32 $0x1200, s10  }
0x10: {  	s10 =	simm.s32 $0x0;
	s17 =	sshll.u32 s7, $0x4;
	s7 =	sshll.u32 s7, $0x1  }
0x11: {  	s12 =	sadd.s32 s17, s2;
	s2 =	sadd.s32 s7, s2;
	s7 =	sadd.s32 s18, s3  }
0x12: {  	s16 =	sadd.s32 $0x1C00, s9;
	s9 =	simm.s32 $0x2800;
	s20 =	sadd.s32 $0x2800, s7  }
0x13: {  	s17 =	sadd.s32 s0, s6;
	s21 =	sadd.s32 $0x5000, s7;
	[dreg:$0x7] =	wrdreg s20  }
0x14: {  	s18 =	sadd.s32 $0x1A00, s8;
	s22 =	sadd.s32 $0x7800, s7;
	[dreg:$0x8] =	wrdreg s21  }
0x15: {  	s0 =	simm.s32 $0x5050;
	s23 =	sadd.s32 $0xA000, s7;
	[dreg:$0x9] =	wrdreg s22  }
0x16: {  	s6 =	simm.s32 $0x27B0;
	s24 =	sadd.s32 $0xC800, s7;
	[dreg:$0xa] =	wrdreg s23  }
.Ltmp0:
0x17: {  	s25 =	sadd.s32 $0xF000, s7;
	[dreg:$0xb] =	wrdreg s24;
	(pc) =	sbr.rel .LBB2_1-.Ltmp0, $4  }
0x18: {  	s8 =	simm.s32 $0x2;
	s26 =	sadd.s32 $0x11800, s7;
	[dreg:$0xc] =	wrdreg s25  }
0x19: {  	[dreg:$0xd] =	wrdreg s26;
	s20 =	sadd.s32 $0x10A00, s12;
	s21 =	sadd.s32 $0x6C00, s2  }
0x1a: {  	s22 =	smax.u32 s13, $0x1;
	s23 =	simm.s32 $0x2850;
	s24 =	simm.s32 $0x3  }
0x1b: {  	v0 =	vimm.f32 $0.0e+00;
	s25 =	simm.s32 $0x7850;
	s26 =	simm.s32 $0x7D50;
	s2 =	simm.s32 $0x1  }
.LBB2_6:
0x1c: {  	_ =	swait.ge [sflag:s2], $0x2800  }
0x1d: {  	[sflag:s2] =	ssyncset.done $0x0  }
0x1e: {  	[sflag:s2] =	ssyncadd.s32 $0xFFFFD800  }
0x1f: {  	[spmem:s3] =	stream.indirect.scatter.add.f32 [tilespmem:s23], [sflag:$0x3], $0x80, s6, s29, $0xb8;
	[tilespmem:$0x1E120] =	vst v63  }
0x20: {  	_ =	swait.ge [sflag:s24], $0x2800  }
0x21: {  	[sflag:s24] =	ssyncset.done $0x0  }
0x22: {  	[sflag:s24] =	ssyncadd.s32 $0xFFFFD800  }
0x23: {  	[spmem:s4] =	stream.indirect.scatter.add.f32 [tilespmem:s25], [sflag:$0x3], $0x10, s6, s29, $0xb8;
	[tilespmem:$0x1E120] =	vst v63  }
0x24: {  	_ =	swait.ge [sflag:s24], $0x500  }
0x25: {  	[sflag:s24] =	ssyncset.done $0x0  }
0x26: {  	s13 =	simm.s32 $0x40;
	[sflag:s24] =	ssyncadd.s32 $0xFFFFFB00  }
0x27: {  	[spmem:s4] =	stream.indirect.scatter.add.f32 [tilespmem:s28], [sflag:$0x3], $0x10, s26, s13, $0xb8;
	[tilespmem:$0x1E120] =	vst v63  }
0x28: {  	_ =	swait.ge [sflag:s24], $0x400  }
0x29: {  	[sflag:s24] =	ssyncset.done $0x0  }
0x2a: {  	[sflag:s24] =	ssyncadd.s32 $0xFFFFFC00  }
0x2b: {  	s14 =	sshrl.u32 s7, $0x3;
	[bflag:$0x0] =	sbarrier.arrive $0xFFFF  }
0x2c: {  	[hbm:s20], [sflag:s11] =	dma.local [spmem:s14], $0x2710  }
0x2d: {  	s10 =	sadd.s32 $0x1, s10;
	_ =	swait.ge [sflag:s24], $0x2710  }
0x2e: {  	p0 =	sne.s32 s10, s22;
	[sflag:s24] =	ssyncset.done $0x0  }
.Ltmp1:
0x2f: {  	[sflag:s24] =	ssyncadd.s32 $0xFFFFD8F0;
	(pc) =	sbr.rel @!p0 .LBB2_7-.Ltmp1, $4  }
0x30: {  	[hbm:s21], [sflag:s11] =	dma.local [spmem:s12], $0x4E2  }
0x31: {  	_ =	swait.ge [sflag:s24], $0x4E2  }
0x32: {  	[sflag:s24] =	ssyncset.done $0x0  }
0x33: {  	[sflag:s24] =	ssyncadd.s32 $0xFFFFFB1E  }
.LBB2_1:
0x34: {  	s11 =	simm.s32 $0x0;
	s12 =	simm.s32 $0x200  }
.LBB2_2:
0x35: {  	p0 =	sne.s32 s12, $0x9E00;
	[tilespmem:s11+$0x28C0] =	vst v0  }
0x36: {  	[tilespmem:s11+$0x2850] =	vst v0  }
0x37: {  	[tilespmem:s11+$0x2860] =	vst v0  }
.Ltmp2:
0x38: {  	[tilespmem:s11+$0x2870] =	vst v0;
	(pc) =	sbr.rel @p0 .LBB2_2-.Ltmp2, $4  }
0x39: {  	[tilespmem:s11+$0x2880] =	vst v0  }
0x3a: {  	[tilespmem:s11+$0x2890] =	vst v0  }
0x3b: {  	[tilespmem:s11+$0x28A0] =	vst v0  }
0x3c: {  	[tilespmem:s11+$0x28B0] =	vst v0;
	s11 =	sshra.s32 s12, $0x2;
	s12 =	sadd.s32 $0x200, s12  }
0x3d: {  	[tilespmem:s11+$0x28C0] =	vst v0  }
0x3e: {  	[tilespmem:s11+$0x2850] =	vst v0  }
0x3f: {  	[tilespmem:s11+$0x2860] =	vst v0  }
0x40: {  	[tilespmem:s11+$0x2870] =	vst v0  }
0x41: {  	[tilespmem:s11+$0x2880] =	vst v0  }
0x42: {  	[tilespmem:s11+$0x2890] =	vst v0  }
0x43: {  	[tilespmem:s11+$0x28A0] =	vst v0  }
0x44: {  	[tilespmem:s11+$0x28B0] =	vst v0  }
0x45: {  	[spmem:s7] =	stream.linear.scatter [tilespmem:s23], [sflag:$0x3], $0x2800, $0x38;
	[tilespmem:$0x1E120] =	vst v63  }
0x46: {  	_ =	swait.ge [sflag:s24], $0x2800  }
0x47: {  	[sflag:s24] =	ssyncset.done $0x0  }
0x48: {  	s13 =	rddreg [dreg:$0x7];
	[sflag:s24] =	ssyncadd.s32 $0xFFFFD800  }
0x49: {  	[spmem:s13] =	stream.linear.scatter [tilespmem:s23], [sflag:$0x3], $0x2800, $0x38;
	[tilespmem:$0x1E120] =	vst v63  }
0x4a: {  	_ =	swait.ge [sflag:s24], $0x2800  }
0x4b: {  	[sflag:s24] =	ssyncset.done $0x0  }
0x4c: {  	s14 =	rddreg [dreg:$0x8];
	[sflag:s24] =	ssyncadd.s32 $0xFFFFD800  }
0x4d: {  	[spmem:s14] =	stream.linear.scatter [tilespmem:s23], [sflag:$0x3], $0x2800, $0x38;
	[tilespmem:$0x1E120] =	vst v63  }
0x4e: {  	_ =	swait.ge [sflag:s24], $0x2800  }
0x4f: {  	[sflag:s24] =	ssyncset.done $0x0  }
0x50: {  	s12 =	rddreg [dreg:$0x9];
	[sflag:s24] =	ssyncadd.s32 $0xFFFFD800  }
0x51: {  	[spmem:s12] =	stream.linear.scatter [tilespmem:s23], [sflag:$0x3], $0x2800, $0x38;
	[tilespmem:$0x1E120] =	vst v63  }
0x52: {  	_ =	swait.ge [sflag:s24], $0x2800  }
0x53: {  	[sflag:s24] =	ssyncset.done $0x0  }
0x54: {  	s13 =	rddreg [dreg:$0xa];
	[sflag:s24] =	ssyncadd.s32 $0xFFFFD800  }
0x55: {  	[spmem:s13] =	stream.linear.scatter [tilespmem:s23], [sflag:$0x3], $0x2800, $0x38;
	[tilespmem:$0x1E120] =	vst v63  }
0x56: {  	_ =	swait.ge [sflag:s24], $0x2800  }
0x57: {  	[sflag:s24] =	ssyncset.done $0x0  }
0x58: {  	s14 =	rddreg [dreg:$0xb];
	[sflag:s24] =	ssyncadd.s32 $0xFFFFD800  }
0x59: {  	[spmem:s14] =	stream.linear.scatter [tilespmem:s23], [sflag:$0x3], $0x2800, $0x38;
	[tilespmem:$0x1E120] =	vst v63  }
0x5a: {  	_ =	swait.ge [sflag:s24], $0x2800  }
0x5b: {  	[sflag:s24] =	ssyncset.done $0x0  }
0x5c: {  	s12 =	rddreg [dreg:$0xc];
	[sflag:s24] =	ssyncadd.s32 $0xFFFFD800  }
0x5d: {  	[spmem:s12] =	stream.linear.scatter [tilespmem:s23], [sflag:$0x3], $0x2800, $0x38;
	[tilespmem:$0x1E120] =	vst v63  }
0x5e: {  	_ =	swait.ge [sflag:s24], $0x2800  }
0x5f: {  	[sflag:s24] =	ssyncset.done $0x0  }
0x60: {  	s13 =	rddreg [dreg:$0xd];
	[sflag:s24] =	ssyncadd.s32 $0xFFFFD800  }
0x61: {  	[spmem:s13] =	stream.linear.scatter [tilespmem:s23], [sflag:$0x3], $0x2080, $0x38;
	[tilespmem:$0x1E120] =	vst v63  }
0x62: {  	s14 =	stileid.u32;
	_ =	swait.ge [sflag:s24], $0x2080  }
0x63: {  	s11 =	sshll.u32 s14, $0x6;
	[sflag:s24] =	ssyncset.done $0x0  }
0x64: {  	s11 =	sor.u32 $0x1C03, s11;
	s12 =	sshrl.u32 s15, $0x3;
	[sflag:s24] =	ssyncadd.s32 $0xFFFFDF80  }
0x65: {  	[spmem:s12], [sflag:s11] =	dma.local [hbm:s16], $0x4E2  }
0x66: {  	_ =	swait.ge [sflag:s24], $0x4E2  }
0x67: {  	[sflag:s24] =	ssyncset.done $0x0  }
0x68: {  	[sflag:s24] =	ssyncadd.s32 $0xFFFFFB1E  }
0x69: {  	[tilespmem:s5], [sflag:$0x3] =	stream.linear.gather [hbm4b:s17+s5], $0x2710, $0x38;
	[tilespmem:$0x1E120] =	vst v63  }
0x6a: {  	_ =	swait.ge [sflag:s24], $0x2710  }
0x6b: {  	[sflag:s24] =	ssyncset.done $0x0  }
0x6c: {  	s13 =	rddreg [dreg:$0x6];
	[sflag:s24] =	ssyncadd.s32 $0xFFFFD8F0  }
0x6d: {  	[tilespmem:s25], [sflag:$0x3] =	stream.linear.gather [hbm4b:s13+s5], $0x500, $0x38;
	[tilespmem:$0x1E120] =	vst v63  }
0x6e: {  	_ =	swait.ge [sflag:s24], $0x500  }
0x6f: {  	[sflag:s24] =	ssyncset.done $0x0  }
0x70: {  	[sflag:s24] =	ssyncadd.s32 $0xFFFFFB00  }
0x71: {  	[tilespmem:s26], [sflag:$0x3] =	stream.linear.gather [hbm4b:s18+s5], $0x40, $0x38;
	[tilespmem:$0x1E120] =	vst v63  }
0x72: {  	_ =	swait.ge [sflag:s24], $0x40  }
0x73: {  	[sflag:s24] =	ssyncset.done $0x0  }
0x74: {  	[sflag:s24] =	ssyncadd.s32 $0xFFFFFFC0  }
0x75: {  	[tilespmem:s28], [sflag:$0x3] =	stream.linear.gather [hbm4b:s19+s5], $0x400, $0x38;
	[tilespmem:$0x1E120] =	vst v63  }
0x76: {  	_ =	swait.ge [sflag:s24], $0x400  }
0x77: {  	[sflag:s24] =	ssyncset.done $0x0  }
0x78: {  	[sflag:s24] =	ssyncadd.s32 $0xFFFFFC00  }
0x79: {  	[bflag:$0x0] =	sbarrier.arrive $0xFFFF  }
0x7a: {  	v1 =	vld [tilespmem:$0x0];
	_ =	sdelay $0x1  }
0x7b: {  	v2 =	vld [tilespmem:$0x10];
	_ =	sdelay $0x1  }
0x7c: {  	v3 =	vld [tilespmem:$0x20]  }
0x7d: {  	v4 =	vand.u32 $0xFFFF, v1  }
0x7e: {  	v61 =	vld [tilespmem:$0x30];
	v1 =	vshrl.u32 v1, $0x10;
	[tilespmem:$0x2710] =	vst v4  }
0x7f: {  	[tilespmem:$0x27B0] =	vst v1;
	v1 =	vand.u32 $0xFFFF, v2  }
0x80: {  	[tilespmem:$0x2720] =	vst v1;
	v1 =	vshrl.u32 v2, $0x10;
	v2 =	vld [tilespmem:$0x40]  }
0x81: {  	[tilespmem:$0x27C0] =	vst v1;
	v1 =	vand.u32 $0xFFFF, v3  }
0x82: {  	[tilespmem:$0x2730] =	vst v1;
	v1 =	vshrl.u32 v3, $0x10;
	v3 =	vld [tilespmem:$0x50]  }
0x83: {  	[tilespmem:$0x27D0] =	vst v1;
	v1 =	vand.u32 $0xFFFF, v61  }
0x84: {  	v62 =	vld [tilespmem:$0x60];
	[tilespmem:$0x2740] =	vst v1;
	v1 =	vshrl.u32 v61, $0x10  }
0x85: {  	[tilespmem:$0x27E0] =	vst v1;
	v1 =	vand.u32 $0xFFFF, v2  }
0x86: {  	[tilespmem:$0x2750] =	vst v1;
	v1 =	vshrl.u32 v2, $0x10;
	v2 =	vld [tilespmem:$0x70]  }
0x87: {  	[tilespmem:$0x27F0] =	vst v1;
	v1 =	vand.u32 $0xFFFF, v3  }
0x88: {  	[tilespmem:$0x2760] =	vst v1;
	v1 =	vshrl.u32 v3, $0x10;
	v3 =	vld [tilespmem:$0x80]  }
0x89: {  	[tilespmem:$0x2800] =	vst v1;
	v1 =	vand.u32 $0xFFFF, v62  }
0x8a: {  	v63 =	vld [tilespmem:$0x90];
	[tilespmem:$0x2770] =	vst v1;
	v1 =	vshrl.u32 v62, $0x10  }
0x8b: {  	[tilespmem:$0x2810] =	vst v1;
	v1 =	vand.u32 $0xFFFF, v2  }
0x8c: {  	[tilespmem:$0x2780] =	vst v1;
	v1 =	vshrl.u32 v2, $0x10  }
0x8d: {  	[tilespmem:$0x2820] =	vst v1;
	v1 =	vand.u32 $0xFFFF, v3  }
0x8e: {  	[tilespmem:$0x2790] =	vst v1;
	v1 =	vshrl.u32 v3, $0x10  }
0x8f: {  	[tilespmem:$0x2830] =	vst v1;
	v1 =	vand.u32 $0xFFFF, v63  }
0x90: {  	[tilespmem:$0x27A0] =	vst v1;
	v1 =	vshrl.u32 v63, $0x10  }
0x91: {  	[tilespmem:$0x2840] =	vst v1  }
0x92: {  	[tilespmem:s23], [sflag:$0x1] =	stream.indirect.gather [hbm4b:s1+s29], $0x80, s30, s29, $0xb8;
	[tilespmem:$0x1E120] =	vst v63  }
0x93: {  	s13 =	simm.s32 $0x4C0  }
0x94: {  	[tilespmem:s0], [sflag:$0x2] =	stream.indirect.gather [hbm4b:s1+s29], $0x80, s31, s29, $0xb8;
	[tilespmem:$0x1E120] =	vst v63  }
.LBB2_4:
0x95: {  	_ =	swait.ge [sflag:s2], $0x2800  }
0x96: {  	[sflag:s2] =	ssyncset.done $0x0  }
0x97: {  	[sflag:s2] =	ssyncadd.s32 $0xFFFFD800  }
0x98: {  	[spmem:s3] =	stream.indirect.scatter.add.f32 [tilespmem:s23], [sflag:$0x3], $0x80, s6, s29, $0xb8;
	[tilespmem:$0x1E120] =	vst v63  }
0x99: {  	_ =	swait.ge [sflag:s24], $0x2800  }
0x9a: {  	[sflag:s24] =	ssyncset.done $0x0  }
0x9b: {  	[sflag:s24] =	ssyncadd.s32 $0xFFFFD800  }
0x9c: {  	[spmem:s4] =	stream.indirect.scatter.add.f32 [tilespmem:s25], [sflag:$0x3], $0x10, s6, s29, $0xb8;
	[tilespmem:$0x1E120] =	vst v63  }
0x9d: {  	_ =	swait.ge [sflag:s24], $0x500  }
0x9e: {  	[sflag:s24] =	ssyncset.done $0x0  }
0x9f: {  	s14 =	sshra.s32 s13, $0x2;
	[sflag:s24] =	ssyncadd.s32 $0xFFFFFB00  }
0xa0: {  	v1 =	vld [tilespmem:s14+$0xFFFFFF70];
	_ =	sdelay $0x4  }
0xa1: {  	v2 =	vand.u32 $0xFFFF, v1  }
0xa2: {  	v1 =	vshrl.u32 v1, $0x10;
	[tilespmem:$0x2710] =	vst v2  }
0xa3: {  	[tilespmem:$0x27B0] =	vst v1  }
0xa4: {  	v1 =	vld [tilespmem:s14+$0xFFFFFF80];
	_ =	sdelay $0x4  }
0xa5: {  	v2 =	vand.u32 $0xFFFF, v1  }
0xa6: {  	v1 =	vshrl.u32 v1, $0x10;
	[tilespmem:$0x2720] =	vst v2  }
0xa7: {  	[tilespmem:$0x27C0] =	vst v1  }
0xa8: {  	v1 =	vld [tilespmem:s14+$0xFFFFFF90];
	_ =	sdelay $0x4  }
0xa9: {  	v2 =	vand.u32 $0xFFFF, v1  }
0xaa: {  	v1 =	vshrl.u32 v1, $0x10;
	[tilespmem:$0x2730] =	vst v2  }
0xab: {  	[tilespmem:$0x27D0] =	vst v1  }
0xac: {  	v1 =	vld [tilespmem:s14+$0xFFFFFFA0];
	_ =	sdelay $0x4  }
0xad: {  	v2 =	vand.u32 $0xFFFF, v1  }
0xae: {  	v1 =	vshrl.u32 v1, $0x10;
	[tilespmem:$0x2740] =	vst v2  }
0xaf: {  	[tilespmem:$0x27E0] =	vst v1  }
0xb0: {  	v1 =	vld [tilespmem:s14+$0xFFFFFFB0];
	_ =	sdelay $0x4  }
0xb1: {  	v2 =	vand.u32 $0xFFFF, v1  }
0xb2: {  	v1 =	vshrl.u32 v1, $0x10;
	[tilespmem:$0x2750] =	vst v2  }
0xb3: {  	[tilespmem:$0x27F0] =	vst v1  }
0xb4: {  	[tilespmem:s23], [sflag:$0x1] =	stream.indirect.gather [hbm4b:s1+s29], $0x80, s30, s29, $0xb8;
	[tilespmem:$0x1E120] =	vst v63  }
0xb5: {  	_ =	swait.ge [sflag:s8], $0x2800  }
0xb6: {  	[sflag:s8] =	ssyncset.done $0x0  }
0xb7: {  	[sflag:s8] =	ssyncadd.s32 $0xFFFFD800  }
0xb8: {  	[spmem:s3] =	stream.indirect.scatter.add.f32 [tilespmem:s0], [sflag:$0x3], $0x80, s9, s29, $0xb8;
	[tilespmem:$0x1E120] =	vst v63  }
0xb9: {  	_ =	swait.ge [sflag:s24], $0x2800  }
0xba: {  	p0 =	seq.s32 s13, $0x9D40;
	[sflag:s24] =	ssyncset.done $0x0  }
.Ltmp3:
0xbb: {  	[sflag:s24] =	ssyncadd.s32 $0xFFFFD800;
	(pc) =	sbr.rel @p0 .LBB2_6-.Ltmp3, $4  }
0xbc: {  	[spmem:s4] =	stream.indirect.scatter.add.f32 [tilespmem:s25], [sflag:$0x3], $0x10, s9, s29, $0xb8;
	[tilespmem:$0x1E120] =	vst v63  }
0xbd: {  	_ =	swait.ge [sflag:s24], $0x500  }
0xbe: {  	[sflag:s24] =	ssyncset.done $0x0  }
0xbf: {  	[sflag:s24] =	ssyncadd.s32 $0xFFFFFB00  }
0xc0: {  	v1 =	vld [tilespmem:s14+$0xFFFFFFC0];
	_ =	sdelay $0x4  }
0xc1: {  	v2 =	vand.u32 $0xFFFF, v1  }
0xc2: {  	v1 =	vshrl.u32 v1, $0x10;
	[tilespmem:$0x2760] =	vst v2  }
0xc3: {  	[tilespmem:$0x2800] =	vst v1  }
0xc4: {  	v1 =	vld [tilespmem:s14+$0xFFFFFFD0];
	_ =	sdelay $0x4  }
0xc5: {  	v2 =	vand.u32 $0xFFFF, v1  }
0xc6: {  	v1 =	vshrl.u32 v1, $0x10;
	[tilespmem:$0x2770] =	vst v2  }
0xc7: {  	[tilespmem:$0x2810] =	vst v1  }
0xc8: {  	v1 =	vld [tilespmem:s14+$0xFFFFFFE0];
	_ =	sdelay $0x4  }
0xc9: {  	v2 =	vand.u32 $0xFFFF, v1  }
0xca: {  	v1 =	vshrl.u32 v1, $0x10;
	[tilespmem:$0x2780] =	vst v2  }
0xcb: {  	[tilespmem:$0x2820] =	vst v1  }
0xcc: {  	v1 =	vld [tilespmem:s14+$0xFFFFFFF0];
	_ =	sdelay $0x4  }
0xcd: {  	v2 =	vand.u32 $0xFFFF, v1  }
0xce: {  	v1 =	vshrl.u32 v1, $0x10;
	[tilespmem:$0x2790] =	vst v2  }
0xcf: {  	[tilespmem:$0x2830] =	vst v1  }
0xd0: {  	v1 =	vld [tilespmem:s14+$0x0];
	_ =	sdelay $0x3  }
.Ltmp4:
0xd1: {  	_ = 	snop;
	(pc) =	sbr.rel .LBB2_4-.Ltmp4, $4  }
0xd2: {  	v2 =	vand.u32 $0xFFFF, v1  }
0xd3: {  	v1 =	vshrl.u32 v1, $0x10;
	[tilespmem:$0x27A0] =	vst v2  }
0xd4: {  	s13 =	sadd.s32 $0x280, s13;
	[tilespmem:$0x2840] =	vst v1  }
0xd5: {  	[tilespmem:s0], [sflag:$0x2] =	stream.indirect.gather [hbm4b:s1+s29], $0x80, s31, s29, $0xb8;
	[tilespmem:$0x1E120] =	vst v63  }
.LBB2_7:
0xd6: {  	_ =	sfence.sel $0x180000  }
0xd7: {  	[bflag:$0x0] =	sbarrier.arrive $0xFFFF  }
0xd8: {  	_ =	strace $0x90000047  }
0xd9: {  	s0 =	stileid.u32;
	[bflag:$0x2] =	sbarrier.arrive $0xFFFF  }
0xda: {  	p0 =	sne.s32 s0, $0x0;
	s0 =	rddreg [dreg:$0x5]  }
0xdb: {  	s0 =	sadd.s32 @!p0 $0x100000, s0  }
0xdc: {  	[sflag:s0] =	ssyncadd.tile.s32 @!p0 $0x1;
	_ =	shalt  }
.Lfunc_end2:
_tile_overlayer_lowered:
.L_overlay_start_2:
0xdd: {  	(tag) =	ssettag $0x2  }
0xde: {  	s0 =	rddreg [dreg:$0x0];
	s2 =	stileid.u32  }
0xdf: {  	s1 =	rddreg [dreg:$0x1];
	p0 =	sne.s32 s2, $0x0  }
0xe0: {  	s3 =	rddreg [dreg:$0x2];
	[bflag:$0x3] =	sbarrier.arrive $0xFFFF;
	s2 =	simm.s32 @!p0 $0x1C03  }
0xe1: {  	[timem:s3], [sflag:s2] =	dma.local @!p0 [hbm:s0], s1  }
0xe2: {  	s0 =	simm.s32 @!p0 $0x3  }
0xe3: {  	_ =	swait.ge @!p0 [sflag:s0], s1  }
0xe4: {  	s1 =	ssub.s32 @!p0 $0x0, s1;
	[sflag:s0] =	ssyncset.done @!p0 $0x0  }
0xe5: {  	[sflag:s0] =	ssyncadd.s32 @!p0 s1  }
0xe6: {  	[bflag:$0x3] =	sbarrier.arrive $0xFFFF  }
0xe7: {  	_ =	shalt  }

</sc_bundles>
